<compile_context>
chip_gen: v7x
topology: tpu7x:2x2x1
jax: 0.10.2.dev20260603
libtpu: 0.0.44.dev20260713+nightly
codegen_flags: <defaults>
</compile_context>

<pallas_src>
import jax
import jax.numpy as jnp
from jax import lax
from jax.experimental import pallas as pl
from jax.experimental.pallas import tpu as pltpu
from jax.experimental.pallas import tpu_sc as plsc

N = 65536
C = 100
NBINS = 15
SHIFT = 17
NBUCKETS = 8192

NBA = 1024


def _softmax_body(logits_ref, conft_ref, idxt_ref, minv_ref, maxv_ref):
    i = pl.program_id(0)
    x = logits_ref[...]
    m = jnp.max(x, axis=1, keepdims=True)
    e = jnp.exp(x - m)
    s = jnp.sum(e, axis=1, keepdims=True)
    conf = e / s
    confp = jnp.pad(conf, ((0, 0), (0, 128 - C)))
    conft = confp.T[0:C, :]
    conft_ref[...] = conft
    bits = lax.bitcast_convert_type(conft, jnp.int32)
    bucket = lax.shift_right_logical(bits, SHIFT)
    rows = lax.broadcasted_iota(jnp.int32, (C, 1), 0)
    local = jnp.where(rows >= C // 2, rows - C // 2, rows)
    idxt_ref[...] = bucket + local * NBUCKETS
    mn = jnp.min(conft, axis=1, keepdims=True)
    mx = jnp.max(conft, axis=1, keepdims=True)

    @pl.when(i == 0)
    def _():
        minv_ref[...] = mn
        maxv_ref[...] = mx

    @pl.when(i > 0)
    def _():
        minv_ref[...] = jnp.minimum(minv_ref[...], mn)
        maxv_ref[...] = jnp.maximum(maxv_ref[...], mx)


def _softmax_call(logits):
    return pl.pallas_call(
        _softmax_body,
        grid=(N // NBA,),
        in_specs=[pl.BlockSpec((NBA, C), lambda i: (i, 0))],
        out_specs=[
            pl.BlockSpec((C, NBA), lambda i: (0, i)),
            pl.BlockSpec((C, NBA), lambda i: (0, i)),
            pl.BlockSpec((C, 1), lambda i: (0, 0)),
            pl.BlockSpec((C, 1), lambda i: (0, 0)),
        ],
        out_shape=[
            jax.ShapeDtypeStruct((C, N), jnp.float32),
            jax.ShapeDtypeStruct((C, N), jnp.int32),
            jax.ShapeDtypeStruct((C, 1), jnp.float32),
            jax.ShapeDtypeStruct((C, 1), jnp.float32),
        ],
    )(logits)


NCORES = 2
NSUB = 16
CLS_PER_CORE = C // NCORES
CH = 16384
NCHUNK = N // CH
ROWS = CH // 128


def _hist_body(conf_hbm, idx2_hbm, ones_hbm, zeros_hbm, out_hbm,
               idx_v, vc_v, ones_v, sem, h1_sh, hc_sh):
    cid = lax.axis_index("c")
    sid = lax.axis_index("s")
    cnt = jnp.where(sid < 2, 4, 3)
    start_local = 3 * sid + jnp.minimum(sid, 2)
    core_base = cid * CLS_PER_CORE

    pltpu.sync_copy(ones_hbm, ones_v)

    def do_class(z):
        local = start_local + z
        cls = core_base + local
        hbase = local * NBUCKETS
        pltpu.sync_copy(zeros_hbm, h1_sh.at[pl.ds(hbase, NBUCKETS)])
        pltpu.sync_copy(zeros_hbm, hc_sh.at[pl.ds(hbase, NBUCKETS)])
        for ch in range(NCHUNK):
            sl = pl.ds(ch * CH, CH)
            descs = [
                pltpu.async_copy(idx2_hbm.at[cls, sl], idx_v, sem),
                pltpu.async_copy(conf_hbm.at[cls, sl], vc_v, sem),
            ]
            for d in descs:
                d.wait()
            sdescs = [
                pltpu.async_copy(ones_v, h1_sh.at[plsc.Indices(idx_v)],
                                 sem, add=True),
                pltpu.async_copy(vc_v, hc_sh.at[plsc.Indices(idx_v)],
                                 sem, add=True),
            ]
            for d in sdescs:
                d.wait()
        pltpu.sync_copy(h1_sh.at[pl.ds(hbase, NBUCKETS)], out_hbm.at[cls])
        pltpu.sync_copy(hc_sh.at[pl.ds(hbase, NBUCKETS)],
                        out_hbm.at[C + cls])

    def loop_body(z, _):
        @pl.when(z < cnt)
        def _():
            do_class(z)
        return 0

    lax.fori_loop(0, 4, loop_body, 0)


def _hist_call(conft, idxt):
    mesh = plsc.VectorSubcoreMesh(core_axis_name="c", subcore_axis_name="s")
    ones = jnp.ones((CH,), jnp.float32)
    zeros = jnp.zeros((NBUCKETS,), jnp.float32)
    shared = pltpu.VMEM_SHARED((CLS_PER_CORE * NBUCKETS,), jnp.float32)
    fn = pl.kernel(
        _hist_body,
        out_type=jax.ShapeDtypeStruct((2 * C, NBUCKETS), jnp.float32),
        mesh=mesh,
        scratch_types=[
            pltpu.VMEM((CH,), jnp.int32),
            pltpu.VMEM((CH,), jnp.float32),
            pltpu.VMEM((CH,), jnp.float32),
            pltpu.SemaphoreType.DMA,
            shared, shared,
        ],
    )
    return fn(conft, idxt, ones, zeros).reshape(2, C, NBUCKETS)


BCH = 512
NBSTEP = NBUCKETS // BCH
BIG = 3.0e38


def _edges_body(h1_ref, hc_ref, minv_ref, maxv_ref,
                edges_ref, u1_ref, uc_ref, uc2_ref,
                carry_ref, bacc_ref, base1_ref,
                cqb1_ref, cqbc_ref, cqbc2_ref,
                hat1_ref, hatc_ref, hatc2_ref):
    j = pl.program_id(0)
    cqb_refs = (cqb1_ref, cqbc_ref, cqbc2_ref)
    hat_refs = (hat1_ref, hatc_ref, hatc2_ref)

    @pl.when(j == 0)
    def _():
        z16 = jnp.zeros((C, 16), jnp.float32)
        carry_ref[...] = jnp.zeros((C, 1), jnp.float32)
        bacc_ref[...] = z16
        base1_ref[...] = jnp.full((C, 16), -1.0, jnp.float32)
        for r in cqb_refs:
            r[...] = z16
        for r in hat_refs:
            r[...] = z16

    h1 = h1_ref[0]
    hc = hc_ref[0]
    hc2 = hc * hc / jnp.maximum(h1, 1.0)
    hs = [h1, hc, hc2]
    rr = lax.broadcasted_iota(jnp.int32, (BCH, BCH), 0)
    cc = lax.broadcasted_iota(jnp.int32, (BCH, BCH), 1)
    tri = (rr <= cc).astype(jnp.float32)
    cum_in = jax.lax.dot(h1, tri, preferred_element_type=jnp.float32)
    carry = carry_ref[...]
    cum = cum_in + carry
    prev = jnp.concatenate([carry, cum[:, :BCH - 1]], axis=1)
    carry_ref[...] = cum[:, BCH - 1:BCH]

    zero1 = jnp.zeros((C, 1), jnp.float32)
    neg1 = jnp.full((C, 1), -1.0, jnp.float32)
    nlt_cols, b1_cols = [zero1], [neg1]
    cqb_cols = [[zero1] for _ in range(3)]
    hat_cols = [[zero1] for _ in range(3)]
    for k in range(1, 15):
        t = k * (float(N) / NBINS) + 0.5
        lt = cum < t
        ltf = jnp.where(lt, 1.0, 0.0)
        onehot = jnp.where((cum >= t) & (prev < t), 1.0, 0.0)
        nlt_cols.append(jnp.sum(ltf, axis=1, keepdims=True))
        b1_cols.append(jnp.max(jnp.where(lt, cum, -1.0), axis=1,
                               keepdims=True))
        for q in range(3):
            cqb_cols[q].append(jnp.sum(hs[q] * ltf, axis=1, keepdims=True))
            hat_cols[q].append(jnp.sum(hs[q] * onehot, axis=1,
                                       keepdims=True))
    nlt_cols.append(zero1)
    b1_cols.append(neg1)
    for q in range(3):
        cqb_cols[q].append(jnp.sum(hs[q], axis=1, keepdims=True))
        hat_cols[q].append(zero1)
    bacc_ref[...] = bacc_ref[...] + jnp.concatenate(nlt_cols, axis=1)
    base1_ref[...] = jnp.maximum(base1_ref[...],
                                 jnp.concatenate(b1_cols, axis=1))
    for q in range(3):
        cqb_refs[q][...] = (cqb_refs[q][...]
                            + jnp.concatenate(cqb_cols[q], axis=1))
        hat_refs[q][...] = (hat_refs[q][...]
                            + jnp.concatenate(hat_cols[q], axis=1))

    @pl.when(j == NBSTEP - 1)
    def _():
        kk = lax.broadcasted_iota(jnp.int32, (C, 16), 1)
        tv = kk.astype(jnp.float32) * (float(N) / NBINS) + 0.5
        base1 = jnp.maximum(base1_ref[...], 0.0)
        h1b = hat_refs[0][...]
        frac = jnp.where(h1b < 0.5, 0.0,
                         (tv - base1) / jnp.maximum(h1b, 1.0))
        mn = minv_ref[...]
        mnb = jnp.broadcast_to(mn, (C, 16))
        b_i = bacc_ref[...].astype(jnp.int32)
        vlo = lax.bitcast_convert_type(b_i << SHIFT, jnp.float32)
        vhi = lax.bitcast_convert_type((b_i + 1) << SHIFT, jnp.float32)
        edge = vlo + frac * (vhi - vlo)
        mx = jnp.broadcast_to(maxv_ref[...], (C, 16))
        edges_ref[...] = jnp.where(kk == 0, mnb,
                                   jnp.where(kk == 15, mx, edge))
        cq = [cqb_refs[q][...] + frac * hat_refs[q][...] for q in range(3)]
        u1_ref[...] = jnp.where(kk == 0, 1.0, cq[0])
        uc_ref[...] = jnp.where(kk == 0, mnb, cq[1])
        uc2_ref[...] = jnp.where(kk == 0, mnb * mnb, cq[2])


def _edges_call(hist2, minv, maxv):
    s16 = pltpu.VMEM((C, 16), jnp.float32)
    o16 = jax.ShapeDtypeStruct((C, 16), jnp.float32)
    return pl.pallas_call(
        _edges_body,
        grid=(NBSTEP,),
        in_specs=[
            pl.BlockSpec((1, C, BCH), lambda j: (0, 0, j)),
            pl.BlockSpec((1, C, BCH), lambda j: (1, 0, j)),
            pl.BlockSpec((C, 1), lambda j: (0, 0)),
            pl.BlockSpec((C, 1), lambda j: (0, 0)),
        ],
        out_specs=[pl.BlockSpec((C, 16), lambda j: (0, 0))] * 4,
        out_shape=[o16, o16, o16, o16],
        scratch_shapes=[pltpu.VMEM((C, 1), jnp.float32)] + [s16] * 8,
    )(hist2, hist2, minv, maxv)


ND = 2048
NDSTEP = N // ND


def _bin_body(conft_ref, labels_ref, edges_ref, u1_ref, uc_ref, uc2_ref,
              out_ref, uy_ref, ucy_ref):
    i = pl.program_id(0)

    @pl.when(i == 0)
    def _():
        z = jnp.zeros((C, 16), jnp.float32)
        uy_ref[...] = z
        ucy_ref[...] = z

    conf = conft_ref[...]
    labels = labels_ref[0]
    clsid = lax.broadcasted_iota(jnp.int32, (C, ND), 0)
    y = (labels == clsid).astype(jnp.float32)
    cy = conf * y
    edges = edges_ref[...]

    clab = jnp.sum(cy, axis=0, keepdims=True)
    eg = lax.dot_general(edges, y, (((0,), (0,)), ((), ())),
                         preferred_element_type=jnp.float32)
    m2 = (clab > eg).astype(jnp.float32)
    uy_ref[...] = uy_ref[...] + lax.dot_general(
        y, m2, (((1,), (1,)), ((), ())),
        preferred_element_type=jnp.float32)
    ucy_ref[...] = ucy_ref[...] + lax.dot_general(
        cy, m2, (((1,), (1,)), ((), ())),
        preferred_element_type=jnp.float32)

    @pl.when(i == NDSTEP - 1)
    def _():
        u1 = u1_ref[...]
        uc = uc_ref[...]
        uc2 = uc2_ref[...]
        uy = uy_ref[...]
        ucy = ucy_ref[...]
        n_b = u1[:, 1:16] - u1[:, 0:15]
        s_c = uc[:, 1:16] - uc[:, 0:15]
        s_c2 = uc2[:, 1:16] - uc2[:, 0:15]
        s_y = uy[:, 0:15] - uy[:, 1:16]
        s_cy = ucy[:, 0:15] - ucy[:, 1:16]
        e = 1.0 / (n_b - 1.0)
        a = s_y * e
        t = (s_c2 - 2.0 * a * s_c + n_b * a * a
             + 2.0 * e * (s_cy - a * s_y) + e * e * s_y)
        t = jnp.where(n_b < 0.5, 0.0, t)
        out_ref[...] = jnp.sum(t, axis=1, keepdims=True) / float(N)


def _bin_call(conft, labels3d, edges, u1, uc, uc2):
    return pl.pallas_call(
        _bin_body,
        grid=(NDSTEP,),
        in_specs=[
            pl.BlockSpec((C, ND), lambda i: (0, i)),
            pl.BlockSpec((1, 1, ND), lambda i: (i, 0, 0)),
            pl.BlockSpec((C, 16), lambda i: (0, 0)),
            pl.BlockSpec((C, 16), lambda i: (0, 0)),
            pl.BlockSpec((C, 16), lambda i: (0, 0)),
            pl.BlockSpec((C, 16), lambda i: (0, 0)),
        ],
        out_specs=pl.BlockSpec((C, 1), lambda i: (0, 0)),
        out_shape=jax.ShapeDtypeStruct((C, 1), jnp.float32),
        scratch_shapes=[
            pltpu.VMEM((C, 16), jnp.float32),
            pltpu.VMEM((C, 16), jnp.float32),
        ],
    )(conft, labels3d, edges, u1, uc, uc2)


def kernel(logits_target, labels_target):
    conft, idxt, minv, maxv = _softmax_call(logits_target)
    hist2 = _hist_call(conft, idxt)
    edges, u1, uc, uc2 = _edges_call(hist2, minv, maxv)
    labels3d = labels_target.reshape(NDSTEP, 1, ND)
    out = _bin_call(conft, labels3d, edges, u1, uc, uc2)
    return out.reshape(C)

# --- scband reference (transcript-rebuilt; emitter-appended) ---
"""Pipeline reference for scband-ece-57501022159076 (READ-ONLY COPY).

The authoritative reference and input builder live on the scoring server;
editing this copy changes nothing except your own understanding.
"""

import jax, jax.numpy as jnp
import numpy as np

P = 2
N_BINS = 15
N = 65536
C = 100


def setup_inputs(seed: int = 0) -> dict:
    key = jax.random.key(seed)
    k1, k2 = jax.random.split(key)
    logits_target = jax.random.normal(k1, (N, C), dtype=jnp.float32)
    labels_target = jax.random.randint(k2, (N,), 0, C, dtype=jnp.int32)
    return {"logits_target": logits_target, "labels_target": labels_target}


def _adaptive_bin_edges(conf):
    # histedges_equalN: equal-count bin boundaries via interp over sorted confidences
    npt = conf.shape[0]
    s = jnp.sort(conf)
    pos = jnp.linspace(0.0, float(npt), N_BINS + 1)
    xp = jnp.arange(npt, dtype=conf.dtype)
    edges = jnp.interp(pos, xp, s)
    return edges


def _ece_our(conf, labels_f, edges):
    # version='our' ECE: per-bin leave-one-out conditional expectation of labels
    lowers = edges[:-1]  # [n_bins]
    uppers = edges[1:]
    in_bin = (conf[None, :] > lowers[:, None]) & (conf[None, :] <= uppers[:, None])  # [n_bins, N]
    m = in_bin.astype(conf.dtype)
    n_b = m.sum(axis=1, keepdims=True)                      # count per bin [n_bins,1]
    S = (m * labels_f[None, :]).sum(axis=1, keepdims=True)  # label sum per bin
    cond = (S - labels_f[None, :]) / (n_b - 1.0)            # leave-one-out expectation
    term = (jnp.abs(conf[None, :] - cond) ** P) * m
    term = jnp.where(in_bin, term, 0.0)
    return term.sum() / conf.shape[0]


def reference(logits_target, labels_target):
    softmaxes = jax.nn.softmax(logits_target, axis=1)
    num_classes = softmaxes.shape[1]
    per_class = []
    for i in range(num_classes):
        class_conf = softmaxes[:, i]
        labels_in_class = (labels_target == i).astype(jnp.float32)
        # bin boundaries are computed on detached confidences in the torch module
        edges = jax.lax.stop_gradient(_adaptive_bin_edges(class_conf))
        per_class.append(_ece_our(class_conf, labels_in_class, edges))
    return jnp.stack(per_class)

if __name__ == "__main__":
    import jax
    _d = setup_inputs()
    print(jax.jit(kernel)(*tuple(_d.values())))

</pallas_src>

<mosaic_0001>
#map = affine_map<(d0, d1) -> (0, 0)>
#map1 = affine_map<(d0, d1) -> (0)>
module attributes {stable_mosaic.version = 14 : i64} {
  func.func @_hist_body(%arg0: i32, %arg1: i32, %arg2: memref<100x65536xf32, #tpu.memory_space<hbm>>, %arg3: memref<100x65536xi32, #tpu.memory_space<hbm>>, %arg4: memref<16384xf32, #tpu.memory_space<hbm>>, %arg5: memref<8192xf32, #tpu.memory_space<hbm>>, %arg6: memref<200x8192xf32, #tpu.memory_space<hbm>>, %arg7: memref<16384xi32, #tpu.memory_space<vmem>>, %arg8: memref<16384xf32, #tpu.memory_space<vmem>>, %arg9: memref<16384xf32, #tpu.memory_space<vmem>>, %arg10: memref<!tpu.dma_semaphore, #tpu.memory_space<semaphore_mem>>, %arg11: memref<409600xf32, #tpu.memory_space<vmem_shared>>, %arg12: memref<409600xf32, #tpu.memory_space<vmem_shared>>) attributes {dimension_semantics = [#tpu.dimension_semantics<core_parallel>, #tpu.dimension_semantics<subcore_parallel>], iteration_bounds = array<i64: 2, 16>, scalar_prefetch = 0 : i64, scratch_operands = 6 : i64, tpu.core_type = #tpu.core_type<sc_vector_subcore>, window_params = [{transform_indices = #map}, {transform_indices = #map}, {transform_indices = #map1}, {transform_indices = #map1}, {transform_indices = #map}]} {
    %lt3A = arith.constant 2 : i32
    %lt3A_0 = arith.cmpi slt, %arg1, %lt3A : i32
    %jit3A = arith.constant 4 : i32
    %jit3A_1 = arith.constant 3 : i32
    %select_n3A = arith.select %lt3A_0, %jit3A, %jit3A_1 : i32
    %mul3A = arith.constant 3 : i32
    %mul3A_2 = arith.muli %mul3A, %arg1 : i32
    %min3A = arith.constant 2 : i32
    %min3A_3 = arith.minsi %arg1, %min3A : i32
    %add3A = arith.addi %mul3A_2, %min3A_3 : i32
    %mul3A_4 = arith.constant 50 : i32
    %mul3A_5 = arith.muli %arg0, %mul3A_4 : i32
    "tpu.region"() ({
      %run_scoped3A = tpu.sem_alloc : memref<!tpu.dma_semaphore, #tpu.memory_space<semaphore_mem>>
      tpu.enqueue_dma source(%arg4 : memref<16384xf32, #tpu.memory_space<hbm>>) target(%arg9 : memref<16384xf32, #tpu.memory_space<vmem>>) target_semaphore(%run_scoped3A : memref<!tpu.dma_semaphore, #tpu.memory_space<semaphore_mem>>)
      tpu.wait_dma2 semaphore(%run_scoped3A : memref<!tpu.dma_semaphore, #tpu.memory_space<semaphore_mem>>) src(%arg4 : memref<16384xf32, #tpu.memory_space<hbm>>) dst(%arg9 : memref<16384xf32, #tpu.memory_space<vmem>>)
      tpu.yield
    }) : () -> ()
    %scan3A = arith.constant 0 : i32
    %scan3A_6 = arith.constant 0 : i32
    %scan3A_7 = arith.constant 4 : i32
    %scan3A_8 = arith.addi %scan3A_6, %scan3A_7 : i32
    %scan3A_9 = arith.constant 1 : i32
    %scan3A_10 = scf.for %scan3A_12 = %scan3A_6 to %scan3A_8 step %scan3A_9 iter_args(%scan3A_13 = %scan3A) -> (i32)  : i32 {
      %lt3A_14 = arith.cmpi slt, %scan3A_12, %select_n3A : i32
      %convert_element_type3A = arith.extui %lt3A_14 : i1 to i32
      %cond3A = arith.constant 0 : i32
      %cond3A_15 = arith.cmpi ne, %convert_element_type3A, %cond3A : i32
      scf.if %cond3A_15 {
        %add3A_17 = arith.addi %add3A, %scan3A_12 : i32
        %add3A_18 = arith.addi %mul3A_5, %add3A_17 : i32
        %mul3A_19 = arith.constant 8192 : i32
        %mul3A_20 = arith.muli %add3A_17, %mul3A_19 : i32
        "tpu.region"() ({
          %run_scoped3A = tpu.sem_alloc : memref<!tpu.dma_semaphore, #tpu.memory_space<semaphore_mem>>
          %dma_start3A_149 = tpu.memref_slice %arg11[%mul3A_20] : memref<409600xf32, #tpu.memory_space<vmem_shared>> -> memref<8192xf32, #tpu.memory_space<vmem_shared>>
          tpu.enqueue_dma source(%arg5 : memref<8192xf32, #tpu.memory_space<hbm>>) target(%dma_start3A_149 : memref<8192xf32, #tpu.memory_space<vmem_shared>>) target_semaphore(%run_scoped3A : memref<!tpu.dma_semaphore, #tpu.memory_space<semaphore_mem>>)
          %dma_wait3A_150 = tpu.memref_slice %arg11[%mul3A_20] : memref<409600xf32, #tpu.memory_space<vmem_shared>> -> memref<8192xf32, #tpu.memory_space<vmem_shared>>
          tpu.wait_dma2 semaphore(%run_scoped3A : memref<!tpu.dma_semaphore, #tpu.memory_space<semaphore_mem>>) src(%arg5 : memref<8192xf32, #tpu.memory_space<hbm>>) dst(%dma_wait3A_150 : memref<8192xf32, #tpu.memory_space<vmem_shared>>)
          tpu.yield
        }) : () -> ()
        "tpu.region"() ({
          %run_scoped3A = tpu.sem_alloc : memref<!tpu.dma_semaphore, #tpu.memory_space<semaphore_mem>>
          %dma_start3A_149 = tpu.memref_slice %arg12[%mul3A_20] : memref<409600xf32, #tpu.memory_space<vmem_shared>> -> memref<8192xf32, #tpu.memory_space<vmem_shared>>
          tpu.enqueue_dma source(%arg5 : memref<8192xf32, #tpu.memory_space<hbm>>) target(%dma_start3A_149 : memref<8192xf32, #tpu.memory_space<vmem_shared>>) target_semaphore(%run_scoped3A : memref<!tpu.dma_semaphore, #tpu.memory_space<semaphore_mem>>)
          %dma_wait3A_150 = tpu.memref_slice %arg12[%mul3A_20] : memref<409600xf32, #tpu.memory_space<vmem_shared>> -> memref<8192xf32, #tpu.memory_space<vmem_shared>>
          tpu.wait_dma2 semaphore(%run_scoped3A : memref<!tpu.dma_semaphore, #tpu.memory_space<semaphore_mem>>) src(%arg5 : memref<8192xf32, #tpu.memory_space<hbm>>) dst(%dma_wait3A_150 : memref<8192xf32, #tpu.memory_space<vmem_shared>>)
          tpu.yield
        }) : () -> ()
        %dma_start3A = arith.constant 0 : i32
        %dma_start3A_21 = tpu.memref_slice %arg3[%add3A_18, %dma_start3A] : memref<100x65536xi32, #tpu.memory_space<hbm>> -> memref<1x16384xi32, #tpu.memory_space<hbm>>
        %dma_start3A_22 = tpu.memref_squeeze %dma_start3A_21 : memref<1x16384xi32, #tpu.memory_space<hbm>> -> memref<16384xi32, #tpu.memory_space<hbm>>
        %dma_start3A_23 = arith.constant 0 : i32
        %dma_start3A_24 = tpu.memref_slice %arg3[%add3A_18, %dma_start3A_23] : memref<100x65536xi32, #tpu.memory_space<hbm>> -> memref<1x16384xi32, #tpu.memory_space<hbm>>
        %dma_start3A_25 = tpu.memref_squeeze %dma_start3A_24 : memref<1x16384xi32, #tpu.memory_space<hbm>> -> memref<16384xi32, #tpu.memory_space<hbm>>
        tpu.enqueue_dma source(%dma_start3A_25 : memref<16384xi32, #tpu.memory_space<hbm>>) target(%arg7 : memref<16384xi32, #tpu.memory_space<vmem>>) target_semaphore(%arg10 : memref<!tpu.dma_semaphore, #tpu.memory_space<semaphore_mem>>)
        %dma_start3A_26 = arith.constant 0 : i32
        %dma_start3A_27 = tpu.memref_slice %arg2[%add3A_18, %dma_start3A_26] : memref<100x65536xf32, #tpu.memory_space<hbm>> -> memref<1x16384xf32, #tpu.memory_space<hbm>>
        %dma_start3A_28 = tpu.memref_squeeze %dma_start3A_27 : memref<1x16384xf32, #tpu.memory_space<hbm>> -> memref<16384xf32, #tpu.memory_space<hbm>>
        %dma_start3A_29 = arith.constant 0 : i32
        %dma_start3A_30 = tpu.memref_slice %arg2[%add3A_18, %dma_start3A_29] : memref<100x65536xf32, #tpu.memory_space<hbm>> -> memref<1x16384xf32, #tpu.memory_space<hbm>>
        %dma_start3A_31 = tpu.memref_squeeze %dma_start3A_30 : memref<1x16384xf32, #tpu.memory_space<hbm>> -> memref<16384xf32, #tpu.memory_space<hbm>>
        tpu.enqueue_dma source(%dma_start3A_31 : memref<16384xf32, #tpu.memory_space<hbm>>) target(%arg8 : memref<16384xf32, #tpu.memory_space<vmem>>) target_semaphore(%arg10 : memref<!tpu.dma_semaphore, #tpu.memory_space<semaphore_mem>>)
        %dma_wait3A = arith.constant 0 : i32
        %dma_wait3A_32 = tpu.memref_slice %arg3[%add3A_18, %dma_wait3A] : memref<100x65536xi32, #tpu.memory_space<hbm>> -> memref<1x16384xi32, #tpu.memory_space<hbm>>
        %dma_wait3A_33 = tpu.memref_squeeze %dma_wait3A_32 : memref<1x16384xi32, #tpu.memory_space<hbm>> -> memref<16384xi32, #tpu.memory_space<hbm>>
        %dma_wait3A_34 = arith.constant 0 : i32
        %dma_wait3A_35 = tpu.memref_slice %arg3[%add3A_18, %dma_wait3A_34] : memref<100x65536xi32, #tpu.memory_space<hbm>> -> memref<1x16384xi32, #tpu.memory_space<hbm>>
        %dma_wait3A_36 = tpu.memref_squeeze %dma_wait3A_35 : memref<1x16384xi32, #tpu.memory_space<hbm>> -> memref<16384xi32, #tpu.memory_space<hbm>>
        tpu.wait_dma2 semaphore(%arg10 : memref<!tpu.dma_semaphore, #tpu.memory_space<semaphore_mem>>) src(%dma_wait3A_36 : memref<16384xi32, #tpu.memory_space<hbm>>) dst(%arg7 : memref<16384xi32, #tpu.memory_space<vmem>>)
        %dma_wait3A_37 = arith.constant 0 : i32
        %dma_wait3A_38 = tpu.memref_slice %arg2[%add3A_18, %dma_wait3A_37] : memref<100x65536xf32, #tpu.memory_space<hbm>> -> memref<1x16384xf32, #tpu.memory_space<hbm>>
        %dma_wait3A_39 = tpu.memref_squeeze %dma_wait3A_38 : memref<1x16384xf32, #tpu.memory_space<hbm>> -> memref<16384xf32, #tpu.memory_space<hbm>>
        %dma_wait3A_40 = arith.constant 0 : i32
        %dma_wait3A_41 = tpu.memref_slice %arg2[%add3A_18, %dma_wait3A_40] : memref<100x65536xf32, #tpu.memory_space<hbm>> -> memref<1x16384xf32, #tpu.memory_space<hbm>>
        %dma_wait3A_42 = tpu.memref_squeeze %dma_wait3A_41 : memref<1x16384xf32, #tpu.memory_space<hbm>> -> memref<16384xf32, #tpu.memory_space<hbm>>
        tpu.wait_dma2 semaphore(%arg10 : memref<!tpu.dma_semaphore, #tpu.memory_space<semaphore_mem>>) src(%dma_wait3A_42 : memref<16384xf32, #tpu.memory_space<hbm>>) dst(%arg8 : memref<16384xf32, #tpu.memory_space<vmem>>)
        %dma_start3A_43 = arith.constant 0 : i32
        %dma_start3A_44 = tpu.memref_slice %arg11[%dma_start3A_43] : memref<409600xf32, #tpu.memory_space<vmem_shared>> -> memref<409600xf32, #tpu.memory_space<vmem_shared>>
        tpu.enqueue_indirect_dma source(%arg9 : memref<16384xf32, #tpu.memory_space<vmem>>) target(%dma_start3A_44 : memref<409600xf32, #tpu.memory_space<vmem_shared>>) offsets(%arg7 : memref<16384xi32, #tpu.memory_space<vmem>>) semaphore(%arg10 : memref<!tpu.dma_semaphore, #tpu.memory_space<semaphore_mem>>) {add = true}
        %dma_start3A_45 = arith.constant 0 : i32
        %dma_start3A_46 = tpu.memref_slice %arg12[%dma_start3A_45] : memref<409600xf32, #tpu.memory_space<vmem_shared>> -> memref<409600xf32, #tpu.memory_space<vmem_shared>>
        tpu.enqueue_indirect_dma source(%arg8 : memref<16384xf32, #tpu.memory_space<vmem>>) target(%dma_start3A_46 : memref<409600xf32, #tpu.memory_space<vmem_shared>>) offsets(%arg7 : memref<16384xi32, #tpu.memory_space<vmem>>) semaphore(%arg10 : memref<!tpu.dma_semaphore, #tpu.memory_space<semaphore_mem>>) {add = true}
        %dma_wait3A_47 = arith.constant 0 : i32
        %dma_wait3A_48 = tpu.memref_slice %arg11[%dma_wait3A_47] : memref<409600xf32, #tpu.memory_space<vmem_shared>> -> memref<409600xf32, #tpu.memory_space<vmem_shared>>
        tpu.wait_indirect_dma semaphore(%arg10 : memref<!tpu.dma_semaphore, #tpu.memory_space<semaphore_mem>>) src(%arg9 : memref<16384xf32, #tpu.memory_space<vmem>>) dst(%dma_wait3A_48 : memref<409600xf32, #tpu.memory_space<vmem_shared>>)
        %dma_wait3A_49 = arith.constant 0 : i32
        %dma_wait3A_50 = tpu.memref_slice %arg12[%dma_wait3A_49] : memref<409600xf32, #tpu.memory_space<vmem_shared>> -> memref<409600xf32, #tpu.memory_space<vmem_shared>>
        tpu.wait_indirect_dma semaphore(%arg10 : memref<!tpu.dma_semaphore, #tpu.memory_space<semaphore_mem>>) src(%arg8 : memref<16384xf32, #tpu.memory_space<vmem>>) dst(%dma_wait3A_50 : memref<409600xf32, #tpu.memory_space<vmem_shared>>)
        %dma_start3A_51 = arith.constant 16384 : i32
        %dma_start3A_52 = tpu.memref_slice %arg3[%add3A_18, %dma_start3A_51] : memref<100x65536xi32, #tpu.memory_space<hbm>> -> memref<1x16384xi32, #tpu.memory_space<hbm>>
        %dma_start3A_53 = tpu.memref_squeeze %dma_start3A_52 : memref<1x16384xi32, #tpu.memory_space<hbm>> -> memref<16384xi32, #tpu.memory_space<hbm>>
        %dma_start3A_54 = arith.constant 16384 : i32
        %dma_start3A_55 = tpu.memref_slice %arg3[%add3A_18, %dma_start3A_54] : memref<100x65536xi32, #tpu.memory_space<hbm>> -> memref<1x16384xi32, #tpu.memory_space<hbm>>
        %dma_start3A_56 = tpu.memref_squeeze %dma_start3A_55 : memref<1x16384xi32, #tpu.memory_space<hbm>> -> memref<16384xi32, #tpu.memory_space<hbm>>
        tpu.enqueue_dma source(%dma_start3A_56 : memref<16384xi32, #tpu.memory_space<hbm>>) target(%arg7 : memref<16384xi32, #tpu.memory_space<vmem>>) target_semaphore(%arg10 : memref<!tpu.dma_semaphore, #tpu.memory_space<semaphore_mem>>)
        %dma_start3A_57 = arith.constant 16384 : i32
        %dma_start3A_58 = tpu.memref_slice %arg2[%add3A_18, %dma_start3A_57] : memref<100x65536xf32, #tpu.memory_space<hbm>> -> memref<1x16384xf32, #tpu.memory_space<hbm>>
        %dma_start3A_59 = tpu.memref_squeeze %dma_start3A_58 : memref<1x16384xf32, #tpu.memory_space<hbm>> -> memref<16384xf32, #tpu.memory_space<hbm>>
        %dma_start3A_60 = arith.constant 16384 : i32
        %dma_start3A_61 = tpu.memref_slice %arg2[%add3A_18, %dma_start3A_60] : memref<100x65536xf32, #tpu.memory_space<hbm>> -> memref<1x16384xf32, #tpu.memory_space<hbm>>
        %dma_start3A_62 = tpu.memref_squeeze %dma_start3A_61 : memref<1x16384xf32, #tpu.memory_space<hbm>> -> memref<16384xf32, #tpu.memory_space<hbm>>
        tpu.enqueue_dma source(%dma_start3A_62 : memref<16384xf32, #tpu.memory_space<hbm>>) target(%arg8 : memref<16384xf32, #tpu.memory_space<vmem>>) target_semaphore(%arg10 : memref<!tpu.dma_semaphore, #tpu.memory_space<semaphore_mem>>)
        %dma_wait3A_63 = arith.constant 16384 : i32
        %dma_wait3A_64 = tpu.memref_slice %arg3[%add3A_18, %dma_wait3A_63] : memref<100x65536xi32, #tpu.memory_space<hbm>> -> memref<1x16384xi32, #tpu.memory_space<hbm>>
        %dma_wait3A_65 = tpu.memref_squeeze %dma_wait3A_64 : memref<1x16384xi32, #tpu.memory_space<hbm>> -> memref<16384xi32, #tpu.memory_space<hbm>>
        %dma_wait3A_66 = arith.constant 16384 : i32
        %dma_wait3A_67 = tpu.memref_slice %arg3[%add3A_18, %dma_wait3A_66] : memref<100x65536xi32, #tpu.memory_space<hbm>> -> memref<1x16384xi32, #tpu.memory_space<hbm>>
        %dma_wait3A_68 = tpu.memref_squeeze %dma_wait3A_67 : memref<1x16384xi32, #tpu.memory_space<hbm>> -> memref<16384xi32, #tpu.memory_space<hbm>>
        tpu.wait_dma2 semaphore(%arg10 : memref<!tpu.dma_semaphore, #tpu.memory_space<semaphore_mem>>) src(%dma_wait3A_68 : memref<16384xi32, #tpu.memory_space<hbm>>) dst(%arg7 : memref<16384xi32, #tpu.memory_space<vmem>>)
        %dma_wait3A_69 = arith.constant 16384 : i32
        %dma_wait3A_70 = tpu.memref_slice %arg2[%add3A_18, %dma_wait3A_69] : memref<100x65536xf32, #tpu.memory_space<hbm>> -> memref<1x16384xf32, #tpu.memory_space<hbm>>
        %dma_wait3A_71 = tpu.memref_squeeze %dma_wait3A_70 : memref<1x16384xf32, #tpu.memory_space<hbm>> -> memref<16384xf32, #tpu.memory_space<hbm>>
        %dma_wait3A_72 = arith.constant 16384 : i32
        %dma_wait3A_73 = tpu.memref_slice %arg2[%add3A_18, %dma_wait3A_72] : memref<100x65536xf32, #tpu.memory_space<hbm>> -> memref<1x16384xf32, #tpu.memory_space<hbm>>
        %dma_wait3A_74 = tpu.memref_squeeze %dma_wait3A_73 : memref<1x16384xf32, #tpu.memory_space<hbm>> -> memref<16384xf32, #tpu.memory_space<hbm>>
        tpu.wait_dma2 semaphore(%arg10 : memref<!tpu.dma_semaphore, #tpu.memory_space<semaphore_mem>>) src(%dma_wait3A_74 : memref<16384xf32, #tpu.memory_space<hbm>>) dst(%arg8 : memref<16384xf32, #tpu.memory_space<vmem>>)
        %dma_start3A_75 = arith.constant 0 : i32
        %dma_start3A_76 = tpu.memref_slice %arg11[%dma_start3A_75] : memref<409600xf32, #tpu.memory_space<vmem_shared>> -> memref<409600xf32, #tpu.memory_space<vmem_shared>>
        tpu.enqueue_indirect_dma source(%arg9 : memref<16384xf32, #tpu.memory_space<vmem>>) target(%dma_start3A_76 : memref<409600xf32, #tpu.memory_space<vmem_shared>>) offsets(%arg7 : memref<16384xi32, #tpu.memory_space<vmem>>) semaphore(%arg10 : memref<!tpu.dma_semaphore, #tpu.memory_space<semaphore_mem>>) {add = true}
        %dma_start3A_77 = arith.constant 0 : i32
        %dma_start3A_78 = tpu.memref_slice %arg12[%dma_start3A_77] : memref<409600xf32, #tpu.memory_space<vmem_shared>> -> memref<409600xf32, #tpu.memory_space<vmem_shared>>
        tpu.enqueue_indirect_dma source(%arg8 : memref<16384xf32, #tpu.memory_space<vmem>>) target(%dma_start3A_78 : memref<409600xf32, #tpu.memory_space<vmem_shared>>) offsets(%arg7 : memref<16384xi32, #tpu.memory_space<vmem>>) semaphore(%arg10 : memref<!tpu.dma_semaphore, #tpu.memory_space<semaphore_mem>>) {add = true}
        %dma_wait3A_79 = arith.constant 0 : i32
        %dma_wait3A_80 = tpu.memref_slice %arg11[%dma_wait3A_79] : memref<409600xf32, #tpu.memory_space<vmem_shared>> -> memref<409600xf32, #tpu.memory_space<vmem_shared>>
        tpu.wait_indirect_dma semaphore(%arg10 : memref<!tpu.dma_semaphore, #tpu.memory_space<semaphore_mem>>) src(%arg9 : memref<16384xf32, #tpu.memory_space<vmem>>) dst(%dma_wait3A_80 : memref<409600xf32, #tpu.memory_space<vmem_shared>>)
        %dma_wait3A_81 = arith.constant 0 : i32
        %dma_wait3A_82 = tpu.memref_slice %arg12[%dma_wait3A_81] : memref<409600xf32, #tpu.memory_space<vmem_shared>> -> memref<409600xf32, #tpu.memory_space<vmem_shared>>
        tpu.wait_indirect_dma semaphore(%arg10 : memref<!tpu.dma_semaphore, #tpu.memory_space<semaphore_mem>>) src(%arg8 : memref<16384xf32, #tpu.memory_space<vmem>>) dst(%dma_wait3A_82 : memref<409600xf32, #tpu.memory_space<vmem_shared>>)
        %dma_start3A_83 = arith.constant 32768 : i32
        %dma_start3A_84 = tpu.memref_slice %arg3[%add3A_18, %dma_start3A_83] : memref<100x65536xi32, #tpu.memory_space<hbm>> -> memref<1x16384xi32, #tpu.memory_space<hbm>>
        %dma_start3A_85 = tpu.memref_squeeze %dma_start3A_84 : memref<1x16384xi32, #tpu.memory_space<hbm>> -> memref<16384xi32, #tpu.memory_space<hbm>>
        %dma_start3A_86 = arith.constant 32768 : i32
        %dma_start3A_87 = tpu.memref_slice %arg3[%add3A_18, %dma_start3A_86] : memref<100x65536xi32, #tpu.memory_space<hbm>> -> memref<1x16384xi32, #tpu.memory_space<hbm>>
        %dma_start3A_88 = tpu.memref_squeeze %dma_start3A_87 : memref<1x16384xi32, #tpu.memory_space<hbm>> -> memref<16384xi32, #tpu.memory_space<hbm>>
        tpu.enqueue_dma source(%dma_start3A_88 : memref<16384xi32, #tpu.memory_space<hbm>>) target(%arg7 : memref<16384xi32, #tpu.memory_space<vmem>>) target_semaphore(%arg10 : memref<!tpu.dma_semaphore, #tpu.memory_space<semaphore_mem>>)
        %dma_start3A_89 = arith.constant 32768 : i32
        %dma_start3A_90 = tpu.memref_slice %arg2[%add3A_18, %dma_start3A_89] : memref<100x65536xf32, #tpu.memory_space<hbm>> -> memref<1x16384xf32, #tpu.memory_space<hbm>>
        %dma_start3A_91 = tpu.memref_squeeze %dma_start3A_90 : memref<1x16384xf32, #tpu.memory_space<hbm>> -> memref<16384xf32, #tpu.memory_space<hbm>>
        %dma_start3A_92 = arith.constant 32768 : i32
        %dma_start3A_93 = tpu.memref_slice %arg2[%add3A_18, %dma_start3A_92] : memref<100x65536xf32, #tpu.memory_space<hbm>> -> memref<1x16384xf32, #tpu.memory_space<hbm>>
        %dma_start3A_94 = tpu.memref_squeeze %dma_start3A_93 : memref<1x16384xf32, #tpu.memory_space<hbm>> -> memref<16384xf32, #tpu.memory_space<hbm>>
        tpu.enqueue_dma source(%dma_start3A_94 : memref<16384xf32, #tpu.memory_space<hbm>>) target(%arg8 : memref<16384xf32, #tpu.memory_space<vmem>>) target_semaphore(%arg10 : memref<!tpu.dma_semaphore, #tpu.memory_space<semaphore_mem>>)
        %dma_wait3A_95 = arith.constant 32768 : i32
        %dma_wait3A_96 = tpu.memref_slice %arg3[%add3A_18, %dma_wait3A_95] : memref<100x65536xi32, #tpu.memory_space<hbm>> -> memref<1x16384xi32, #tpu.memory_space<hbm>>
        %dma_wait3A_97 = tpu.memref_squeeze %dma_wait3A_96 : memref<1x16384xi32, #tpu.memory_space<hbm>> -> memref<16384xi32, #tpu.memory_space<hbm>>
        %dma_wait3A_98 = arith.constant 32768 : i32
        %dma_wait3A_99 = tpu.memref_slice %arg3[%add3A_18, %dma_wait3A_98] : memref<100x65536xi32, #tpu.memory_space<hbm>> -> memref<1x16384xi32, #tpu.memory_space<hbm>>
        %dma_wait3A_100 = tpu.memref_squeeze %dma_wait3A_99 : memref<1x16384xi32, #tpu.memory_space<hbm>> -> memref<16384xi32, #tpu.memory_space<hbm>>
        tpu.wait_dma2 semaphore(%arg10 : memref<!tpu.dma_semaphore, #tpu.memory_space<semaphore_mem>>) src(%dma_wait3A_100 : memref<16384xi32, #tpu.memory_space<hbm>>) dst(%arg7 : memref<16384xi32, #tpu.memory_space<vmem>>)
        %dma_wait3A_101 = arith.constant 32768 : i32
        %dma_wait3A_102 = tpu.memref_slice %arg2[%add3A_18, %dma_wait3A_101] : memref<100x65536xf32, #tpu.memory_space<hbm>> -> memref<1x16384xf32, #tpu.memory_space<hbm>>
        %dma_wait3A_103 = tpu.memref_squeeze %dma_wait3A_102 : memref<1x16384xf32, #tpu.memory_space<hbm>> -> memref<16384xf32, #tpu.memory_space<hbm>>
        %dma_wait3A_104 = arith.constant 32768 : i32
        %dma_wait3A_105 = tpu.memref_slice %arg2[%add3A_18, %dma_wait3A_104] : memref<100x65536xf32, #tpu.memory_space<hbm>> -> memref<1x16384xf32, #tpu.memory_space<hbm>>
        %dma_wait3A_106 = tpu.memref_squeeze %dma_wait3A_105 : memref<1x16384xf32, #tpu.memory_space<hbm>> -> memref<16384xf32, #tpu.memory_space<hbm>>
        tpu.wait_dma2 semaphore(%arg10 : memref<!tpu.dma_semaphore, #tpu.memory_space<semaphore_mem>>) src(%dma_wait3A_106 : memref<16384xf32, #tpu.memory_space<hbm>>) dst(%arg8 : memref<16384xf32, #tpu.memory_space<vmem>>)
        %dma_start3A_107 = arith.constant 0 : i32
        %dma_start3A_108 = tpu.memref_slice %arg11[%dma_start3A_107] : memref<409600xf32, #tpu.memory_space<vmem_shared>> -> memref<409600xf32, #tpu.memory_space<vmem_shared>>
        tpu.enqueue_indirect_dma source(%arg9 : memref<16384xf32, #tpu.memory_space<vmem>>) target(%dma_start3A_108 : memref<409600xf32, #tpu.memory_space<vmem_shared>>) offsets(%arg7 : memref<16384xi32, #tpu.memory_space<vmem>>) semaphore(%arg10 : memref<!tpu.dma_semaphore, #tpu.memory_space<semaphore_mem>>) {add = true}
        %dma_start3A_109 = arith.constant 0 : i32
        %dma_start3A_110 = tpu.memref_slice %arg12[%dma_start3A_109] : memref<409600xf32, #tpu.memory_space<vmem_shared>> -> memref<409600xf32, #tpu.memory_space<vmem_shared>>
        tpu.enqueue_indirect_dma source(%arg8 : memref<16384xf32, #tpu.memory_space<vmem>>) target(%dma_start3A_110 : memref<409600xf32, #tpu.memory_space<vmem_shared>>) offsets(%arg7 : memref<16384xi32, #tpu.memory_space<vmem>>) semaphore(%arg10 : memref<!tpu.dma_semaphore, #tpu.memory_space<semaphore_mem>>) {add = true}
        %dma_wait3A_111 = arith.constant 0 : i32
        %dma_wait3A_112 = tpu.memref_slice %arg11[%dma_wait3A_111] : memref<409600xf32, #tpu.memory_space<vmem_shared>> -> memref<409600xf32, #tpu.memory_space<vmem_shared>>
        tpu.wait_indirect_dma semaphore(%arg10 : memref<!tpu.dma_semaphore, #tpu.memory_space<semaphore_mem>>) src(%arg9 : memref<16384xf32, #tpu.memory_space<vmem>>) dst(%dma_wait3A_112 : memref<409600xf32, #tpu.memory_space<vmem_shared>>)
        %dma_wait3A_113 = arith.constant 0 : i32
        %dma_wait3A_114 = tpu.memref_slice %arg12[%dma_wait3A_113] : memref<409600xf32, #tpu.memory_space<vmem_shared>> -> memref<409600xf32, #tpu.memory_space<vmem_shared>>
        tpu.wait_indirect_dma semaphore(%arg10 : memref<!tpu.dma_semaphore, #tpu.memory_space<semaphore_mem>>) src(%arg8 : memref<16384xf32, #tpu.memory_space<vmem>>) dst(%dma_wait3A_114 : memref<409600xf32, #tpu.memory_space<vmem_shared>>)
        %dma_start3A_115 = arith.constant 49152 : i32
        %dma_start3A_116 = tpu.memref_slice %arg3[%add3A_18, %dma_start3A_115] : memref<100x65536xi32, #tpu.memory_space<hbm>> -> memref<1x16384xi32, #tpu.memory_space<hbm>>
        %dma_start3A_117 = tpu.memref_squeeze %dma_start3A_116 : memref<1x16384xi32, #tpu.memory_space<hbm>> -> memref<16384xi32, #tpu.memory_space<hbm>>
        %dma_start3A_118 = arith.constant 49152 : i32
        %dma_start3A_119 = tpu.memref_slice %arg3[%add3A_18, %dma_start3A_118] : memref<100x65536xi32, #tpu.memory_space<hbm>> -> memref<1x16384xi32, #tpu.memory_space<hbm>>
        %dma_start3A_120 = tpu.memref_squeeze %dma_start3A_119 : memref<1x16384xi32, #tpu.memory_space<hbm>> -> memref<16384xi32, #tpu.memory_space<hbm>>
        tpu.enqueue_dma source(%dma_start3A_120 : memref<16384xi32, #tpu.memory_space<hbm>>) target(%arg7 : memref<16384xi32, #tpu.memory_space<vmem>>) target_semaphore(%arg10 : memref<!tpu.dma_semaphore, #tpu.memory_space<semaphore_mem>>)
        %dma_start3A_121 = arith.constant 49152 : i32
        %dma_start3A_122 = tpu.memref_slice %arg2[%add3A_18, %dma_start3A_121] : memref<100x65536xf32, #tpu.memory_space<hbm>> -> memref<1x16384xf32, #tpu.memory_space<hbm>>
        %dma_start3A_123 = tpu.memref_squeeze %dma_start3A_122 : memref<1x16384xf32, #tpu.memory_space<hbm>> -> memref<16384xf32, #tpu.memory_space<hbm>>
        %dma_start3A_124 = arith.constant 49152 : i32
        %dma_start3A_125 = tpu.memref_slice %arg2[%add3A_18, %dma_start3A_124] : memref<100x65536xf32, #tpu.memory_space<hbm>> -> memref<1x16384xf32, #tpu.memory_space<hbm>>
        %dma_start3A_126 = tpu.memref_squeeze %dma_start3A_125 : memref<1x16384xf32, #tpu.memory_space<hbm>> -> memref<16384xf32, #tpu.memory_space<hbm>>
        tpu.enqueue_dma source(%dma_start3A_126 : memref<16384xf32, #tpu.memory_space<hbm>>) target(%arg8 : memref<16384xf32, #tpu.memory_space<vmem>>) target_semaphore(%arg10 : memref<!tpu.dma_semaphore, #tpu.memory_space<semaphore_mem>>)
        %dma_wait3A_127 = arith.constant 49152 : i32
        %dma_wait3A_128 = tpu.memref_slice %arg3[%add3A_18, %dma_wait3A_127] : memref<100x65536xi32, #tpu.memory_space<hbm>> -> memref<1x16384xi32, #tpu.memory_space<hbm>>
        %dma_wait3A_129 = tpu.memref_squeeze %dma_wait3A_128 : memref<1x16384xi32, #tpu.memory_space<hbm>> -> memref<16384xi32, #tpu.memory_space<hbm>>
        %dma_wait3A_130 = arith.constant 49152 : i32
        %dma_wait3A_131 = tpu.memref_slice %arg3[%add3A_18, %dma_wait3A_130] : memref<100x65536xi32, #tpu.memory_space<hbm>> -> memref<1x16384xi32, #tpu.memory_space<hbm>>
        %dma_wait3A_132 = tpu.memref_squeeze %dma_wait3A_131 : memref<1x16384xi32, #tpu.memory_space<hbm>> -> memref<16384xi32, #tpu.memory_space<hbm>>
        tpu.wait_dma2 semaphore(%arg10 : memref<!tpu.dma_semaphore, #tpu.memory_space<semaphore_mem>>) src(%dma_wait3A_132 : memref<16384xi32, #tpu.memory_space<hbm>>) dst(%arg7 : memref<16384xi32, #tpu.memory_space<vmem>>)
        %dma_wait3A_133 = arith.constant 49152 : i32
        %dma_wait3A_134 = tpu.memref_slice %arg2[%add3A_18, %dma_wait3A_133] : memref<100x65536xf32, #tpu.memory_space<hbm>> -> memref<1x16384xf32, #tpu.memory_space<hbm>>
        %dma_wait3A_135 = tpu.memref_squeeze %dma_wait3A_134 : memref<1x16384xf32, #tpu.memory_space<hbm>> -> memref<16384xf32, #tpu.memory_space<hbm>>
        %dma_wait3A_136 = arith.constant 49152 : i32
        %dma_wait3A_137 = tpu.memref_slice %arg2[%add3A_18, %dma_wait3A_136] : memref<100x65536xf32, #tpu.memory_space<hbm>> -> memref<1x16384xf32, #tpu.memory_space<hbm>>
        %dma_wait3A_138 = tpu.memref_squeeze %dma_wait3A_137 : memref<1x16384xf32, #tpu.memory_space<hbm>> -> memref<16384xf32, #tpu.memory_space<hbm>>
        tpu.wait_dma2 semaphore(%arg10 : memref<!tpu.dma_semaphore, #tpu.memory_space<semaphore_mem>>) src(%dma_wait3A_138 : memref<16384xf32, #tpu.memory_space<hbm>>) dst(%arg8 : memref<16384xf32, #tpu.memory_space<vmem>>)
        %dma_start3A_139 = arith.constant 0 : i32
        %dma_start3A_140 = tpu.memref_slice %arg11[%dma_start3A_139] : memref<409600xf32, #tpu.memory_space<vmem_shared>> -> memref<409600xf32, #tpu.memory_space<vmem_shared>>
        tpu.enqueue_indirect_dma source(%arg9 : memref<16384xf32, #tpu.memory_space<vmem>>) target(%dma_start3A_140 : memref<409600xf32, #tpu.memory_space<vmem_shared>>) offsets(%arg7 : memref<16384xi32, #tpu.memory_space<vmem>>) semaphore(%arg10 : memref<!tpu.dma_semaphore, #tpu.memory_space<semaphore_mem>>) {add = true}
        %dma_start3A_141 = arith.constant 0 : i32
        %dma_start3A_142 = tpu.memref_slice %arg12[%dma_start3A_141] : memref<409600xf32, #tpu.memory_space<vmem_shared>> -> memref<409600xf32, #tpu.memory_space<vmem_shared>>
        tpu.enqueue_indirect_dma source(%arg8 : memref<16384xf32, #tpu.memory_space<vmem>>) target(%dma_start3A_142 : memref<409600xf32, #tpu.memory_space<vmem_shared>>) offsets(%arg7 : memref<16384xi32, #tpu.memory_space<vmem>>) semaphore(%arg10 : memref<!tpu.dma_semaphore, #tpu.memory_space<semaphore_mem>>) {add = true}
        %dma_wait3A_143 = arith.constant 0 : i32
        %dma_wait3A_144 = tpu.memref_slice %arg11[%dma_wait3A_143] : memref<409600xf32, #tpu.memory_space<vmem_shared>> -> memref<409600xf32, #tpu.memory_space<vmem_shared>>
        tpu.wait_indirect_dma semaphore(%arg10 : memref<!tpu.dma_semaphore, #tpu.memory_space<semaphore_mem>>) src(%arg9 : memref<16384xf32, #tpu.memory_space<vmem>>) dst(%dma_wait3A_144 : memref<409600xf32, #tpu.memory_space<vmem_shared>>)
        %dma_wait3A_145 = arith.constant 0 : i32
        %dma_wait3A_146 = tpu.memref_slice %arg12[%dma_wait3A_145] : memref<409600xf32, #tpu.memory_space<vmem_shared>> -> memref<409600xf32, #tpu.memory_space<vmem_shared>>
        tpu.wait_indirect_dma semaphore(%arg10 : memref<!tpu.dma_semaphore, #tpu.memory_space<semaphore_mem>>) src(%arg8 : memref<16384xf32, #tpu.memory_space<vmem>>) dst(%dma_wait3A_146 : memref<409600xf32, #tpu.memory_space<vmem_shared>>)
        "tpu.region"() ({
          %run_scoped3A = tpu.sem_alloc : memref<!tpu.dma_semaphore, #tpu.memory_space<semaphore_mem>>
          %dma_start3A_149 = arith.constant 0 : i32
          %dma_start3A_150 = tpu.memref_slice %arg6[%add3A_18, %dma_start3A_149] : memref<200x8192xf32, #tpu.memory_space<hbm>> -> memref<1x8192xf32, #tpu.memory_space<hbm>>
          %dma_start3A_151 = tpu.memref_squeeze %dma_start3A_150 : memref<1x8192xf32, #tpu.memory_space<hbm>> -> memref<8192xf32, #tpu.memory_space<hbm>>
          %dma_start3A_152 = tpu.memref_slice %arg11[%mul3A_20] : memref<409600xf32, #tpu.memory_space<vmem_shared>> -> memref<8192xf32, #tpu.memory_space<vmem_shared>>
          tpu.enqueue_dma source(%dma_start3A_152 : memref<8192xf32, #tpu.memory_space<vmem_shared>>) target(%dma_start3A_151 : memref<8192xf32, #tpu.memory_space<hbm>>) target_semaphore(%run_scoped3A : memref<!tpu.dma_semaphore, #tpu.memory_space<semaphore_mem>>)
          %dma_wait3A_153 = arith.constant 0 : i32
          %dma_wait3A_154 = tpu.memref_slice %arg6[%add3A_18, %dma_wait3A_153] : memref<200x8192xf32, #tpu.memory_space<hbm>> -> memref<1x8192xf32, #tpu.memory_space<hbm>>
          %dma_wait3A_155 = tpu.memref_squeeze %dma_wait3A_154 : memref<1x8192xf32, #tpu.memory_space<hbm>> -> memref<8192xf32, #tpu.memory_space<hbm>>
          %dma_wait3A_156 = tpu.memref_slice %arg11[%mul3A_20] : memref<409600xf32, #tpu.memory_space<vmem_shared>> -> memref<8192xf32, #tpu.memory_space<vmem_shared>>
          tpu.wait_dma2 semaphore(%run_scoped3A : memref<!tpu.dma_semaphore, #tpu.memory_space<semaphore_mem>>) src(%dma_wait3A_156 : memref<8192xf32, #tpu.memory_space<vmem_shared>>) dst(%dma_wait3A_155 : memref<8192xf32, #tpu.memory_space<hbm>>)
          tpu.yield
        }) : () -> ()
        %add3A_147 = arith.constant 100 : i32
        %add3A_148 = arith.addi %add3A_147, %add3A_18 : i32
        "tpu.region"() ({
          %run_scoped3A = tpu.sem_alloc : memref<!tpu.dma_semaphore, #tpu.memory_space<semaphore_mem>>
          %dma_start3A_149 = arith.constant 0 : i32
          %dma_start3A_150 = tpu.memref_slice %arg6[%add3A_148, %dma_start3A_149] : memref<200x8192xf32, #tpu.memory_space<hbm>> -> memref<1x8192xf32, #tpu.memory_space<hbm>>
          %dma_start3A_151 = tpu.memref_squeeze %dma_start3A_150 : memref<1x8192xf32, #tpu.memory_space<hbm>> -> memref<8192xf32, #tpu.memory_space<hbm>>
          %dma_start3A_152 = tpu.memref_slice %arg12[%mul3A_20] : memref<409600xf32, #tpu.memory_space<vmem_shared>> -> memref<8192xf32, #tpu.memory_space<vmem_shared>>
          tpu.enqueue_dma source(%dma_start3A_152 : memref<8192xf32, #tpu.memory_space<vmem_shared>>) target(%dma_start3A_151 : memref<8192xf32, #tpu.memory_space<hbm>>) target_semaphore(%run_scoped3A : memref<!tpu.dma_semaphore, #tpu.memory_space<semaphore_mem>>)
          %dma_wait3A_153 = arith.constant 0 : i32
          %dma_wait3A_154 = tpu.memref_slice %arg6[%add3A_148, %dma_wait3A_153] : memref<200x8192xf32, #tpu.memory_space<hbm>> -> memref<1x8192xf32, #tpu.memory_space<hbm>>
          %dma_wait3A_155 = tpu.memref_squeeze %dma_wait3A_154 : memref<1x8192xf32, #tpu.memory_space<hbm>> -> memref<8192xf32, #tpu.memory_space<hbm>>
          %dma_wait3A_156 = tpu.memref_slice %arg12[%mul3A_20] : memref<409600xf32, #tpu.memory_space<vmem_shared>> -> memref<8192xf32, #tpu.memory_space<vmem_shared>>
          tpu.wait_dma2 semaphore(%run_scoped3A : memref<!tpu.dma_semaphore, #tpu.memory_space<semaphore_mem>>) src(%dma_wait3A_156 : memref<8192xf32, #tpu.memory_space<vmem_shared>>) dst(%dma_wait3A_155 : memref<8192xf32, #tpu.memory_space<hbm>>)
          tpu.yield
        }) : () -> ()
      } else {
      }
      %scan3A_16 = arith.constant 0 : i32
      scf.yield %scan3A_16 : i32
    }
    %scan3A_11 = arith.constant 4 : i32
    return
  }
}

module attributes {stable_mosaic.version = 14 : i64} {
  func.func @_softmax_body(%arg0: i32, %arg1: memref<1024x100xf32, #tpu.memory_space<vmem>>, %arg2: memref<100x1024xf32, #tpu.memory_space<vmem>>, %arg3: memref<100x1024xi32, #tpu.memory_space<vmem>>, %arg4: memref<100x1xf32, #tpu.memory_space<vmem>>, %arg5: memref<100x1xf32, #tpu.memory_space<vmem>>) attributes {dimension_semantics = [#tpu.dimension_semantics<arbitrary>], iteration_bounds = array<i64: 64>, scalar_prefetch = 0 : i64, scratch_operands = 0 : i64, tpu.core_type = #tpu.core_type<tc>, window_params = [{transform_indices = @transform_0, window_bounds = array<i64: 1024, 100>}, {transform_indices = @transform_1, window_bounds = array<i64: 100, 1024>}, {transform_indices = @transform_2, window_bounds = array<i64: 100, 1024>}, {pipeline_mode = #tpu.pipeline_mode<synchronous>, transform_indices = @transform_3, window_bounds = array<i64: 100, 1>}, {pipeline_mode = #tpu.pipeline_mode<synchronous>, transform_indices = @transform_4, window_bounds = array<i64: 100, 1>}]} {
    %get3A = arith.constant 0 : index
    %get3A_0 = arith.constant 0 : index
    %get3A_1 = vector.load %arg1[%get3A, %get3A_0] : memref<1024x100xf32, #tpu.memory_space<vmem>>, vector<1024x100xf32>
    %reduce_max3A = arith.constant dense<0xFF800000> : vector<1024xf32>
    %reduce_max3A_2 = vector.multi_reduction <maximumf>, %get3A_1, %reduce_max3A [1] : vector<1024x100xf32> to vector<1024xf32>
    %broadcast_in_dim3A = vector.shape_cast %reduce_max3A_2 : vector<1024xf32> to vector<1024x1xf32>
    %sub3A = vector.broadcast %broadcast_in_dim3A : vector<1024x1xf32> to vector<1024x100xf32>
    %sub3A_3 = arith.subf %get3A_1, %sub3A : vector<1024x100xf32>
    %exp3A = math.exp %sub3A_3 : vector<1024x100xf32>
    %reduce_sum3A = arith.constant dense<0.000000e+00> : vector<1024xf32>
    %reduce_sum3A_4 = vector.multi_reduction <add>, %exp3A, %reduce_sum3A [1] : vector<1024x100xf32> to vector<1024xf32>
    %broadcast_in_dim3A_5 = vector.shape_cast %reduce_sum3A_4 : vector<1024xf32> to vector<1024x1xf32>
    %div3A = vector.broadcast %broadcast_in_dim3A_5 : vector<1024x1xf32> to vector<1024x100xf32>
    %div3A_6 = arith.divf %exp3A, %div3A : vector<1024x100xf32>
    %jit3A = arith.constant 0 : i32
    %convert_element_type3A = arith.sitofp %jit3A : i32 to f32
    %pad3A = vector.broadcast %convert_element_type3A : f32 to vector<1024x28xf32>
    %pad3A_7 = tpu.concatenate %div3A_6, %pad3A in 1 : vector<1024x100xf32>, vector<1024x28xf32> -> vector<1024x128xf32>
    %transpose3A = tpu.transpose %pad3A_7, [1, 0] : vector<1024x128xf32> -> vector<128x1024xf32>
    %slice3A = vector.extract_strided_slice %transpose3A {offsets = [0, 0], sizes = [100, 1024], strides = [1, 1]} : vector<128x1024xf32> to vector<100x1024xf32>
    %swap3A = arith.constant 0 : index
    %swap3A_8 = arith.constant 0 : index
    %swap3A_9 = vector.load %arg2[%swap3A, %swap3A_8] : memref<100x1024xf32, #tpu.memory_space<vmem>>, vector<100x1024xf32>
    tpu.vector_store %arg2[%swap3A, %swap3A_8], %slice3A {strides = array<i32>} : memref<100x1024xf32, #tpu.memory_space<vmem>>, vector<100x1024xf32>,
    %bitcast_convert_type3A = tpu.bitcast %slice3A : vector<100x1024xf32> -> vector<100x1024xi32>
    %shift_right_logical3A = arith.constant 17 : i32
    %shift_right_logical3A_10 = vector.broadcast %shift_right_logical3A : i32 to vector<100x1024xi32>
    %shift_right_logical3A_11 = arith.shrui %bitcast_convert_type3A, %shift_right_logical3A_10 : vector<100x1024xi32>
    %iota3A = tpu.iota {dimensions = array<i32: 0>} : vector<100x1xi32>
    %ge3A = arith.constant 50 : i32
    %ge3A_12 = vector.broadcast %ge3A : i32 to vector<100x1xi32>
    %ge3A_13 = arith.cmpi sge, %iota3A, %ge3A_12 : vector<100x1xi32>
    %sub3A_14 = arith.constant 50 : i32
    %sub3A_15 = vector.broadcast %sub3A_14 : i32 to vector<100x1xi32>
    %sub3A_16 = arith.subi %iota3A, %sub3A_15 : vector<100x1xi32>
    %select_n3A = arith.select %ge3A_13, %sub3A_16, %iota3A : vector<100x1xi1>, vector<100x1xi32>
    %mul3A = arith.constant 8192 : i32
    %mul3A_17 = vector.broadcast %mul3A : i32 to vector<100x1xi32>
    %mul3A_18 = arith.muli %select_n3A, %mul3A_17 : vector<100x1xi32>
    %add3A = vector.broadcast %mul3A_18 : vector<100x1xi32> to vector<100x1024xi32>
    %add3A_19 = arith.addi %shift_right_logical3A_11, %add3A : vector<100x1024xi32>
    %swap3A_20 = arith.constant 0 : index
    %swap3A_21 = arith.constant 0 : index
    %swap3A_22 = vector.load %arg3[%swap3A_20, %swap3A_21] : memref<100x1024xi32, #tpu.memory_space<vmem>>, vector<100x1024xi32>
    tpu.vector_store %arg3[%swap3A_20, %swap3A_21], %add3A_19 {strides = array<i32>} : memref<100x1024xi32, #tpu.memory_space<vmem>>, vector<100x1024xi32>,
    %reduce_min3A = arith.constant dense<0x7F800000> : vector<100xf32>
    %reduce_min3A_23 = vector.multi_reduction <minimumf>, %slice3A, %reduce_min3A [1] : vector<100x1024xf32> to vector<100xf32>
    %broadcast_in_dim3A_24 = vector.shape_cast %reduce_min3A_23 : vector<100xf32> to vector<100x1xf32>
    %reduce_max3A_25 = arith.constant dense<0xFF800000> : vector<100xf32>
    %reduce_max3A_26 = vector.multi_reduction <maximumf>, %slice3A, %reduce_max3A_25 [1] : vector<100x1024xf32> to vector<100xf32>
    %broadcast_in_dim3A_27 = vector.shape_cast %reduce_max3A_26 : vector<100xf32> to vector<100x1xf32>
    %eq3A = arith.constant 0 : i32
    %eq3A_28 = arith.cmpi eq, %arg0, %eq3A : i32
    %convert_element_type3A_29 = arith.extui %eq3A_28 : i1 to i32
    %cond3A = arith.constant 0 : i32
    %cond3A_30 = arith.cmpi ne, %convert_element_type3A_29, %cond3A : i32
    scf.if %cond3A_30 {
      %swap3A_35 = arith.constant 0 : index
      %swap3A_36 = arith.constant 0 : index
      %swap3A_37 = vector.load %arg4[%swap3A_35, %swap3A_36] : memref<100x1xf32, #tpu.memory_space<vmem>>, vector<100x1xf32>
      tpu.vector_store %arg4[%swap3A_35, %swap3A_36], %broadcast_in_dim3A_24 {strides = array<i32>} : memref<100x1xf32, #tpu.memory_space<vmem>>, vector<100x1xf32>,
      %swap3A_38 = arith.constant 0 : index
      %swap3A_39 = arith.constant 0 : index
      %swap3A_40 = vector.load %arg5[%swap3A_38, %swap3A_39] : memref<100x1xf32, #tpu.memory_space<vmem>>, vector<100x1xf32>
      tpu.vector_store %arg5[%swap3A_38, %swap3A_39], %broadcast_in_dim3A_27 {strides = array<i32>} : memref<100x1xf32, #tpu.memory_space<vmem>>, vector<100x1xf32>,
    } else {
    }
    %gt3A = arith.constant 0 : i32
    %gt3A_31 = arith.cmpi sgt, %arg0, %gt3A : i32
    %convert_element_type3A_32 = arith.extui %gt3A_31 : i1 to i32
    %cond3A_33 = arith.constant 0 : i32
    %cond3A_34 = arith.cmpi ne, %convert_element_type3A_32, %cond3A_33 : i32
    scf.if %cond3A_34 {
      %get3A_35 = arith.constant 0 : index
      %get3A_36 = arith.constant 0 : index
      %get3A_37 = vector.load %arg4[%get3A_35, %get3A_36] : memref<100x1xf32, #tpu.memory_space<vmem>>, vector<100x1xf32>
      %min3A = arith.minimumf %get3A_37, %broadcast_in_dim3A_24 : vector<100x1xf32>
      %swap3A_38 = arith.constant 0 : index
      %swap3A_39 = arith.constant 0 : index
      %swap3A_40 = vector.load %arg4[%swap3A_38, %swap3A_39] : memref<100x1xf32, #tpu.memory_space<vmem>>, vector<100x1xf32>
      tpu.vector_store %arg4[%swap3A_38, %swap3A_39], %min3A {strides = array<i32>} : memref<100x1xf32, #tpu.memory_space<vmem>>, vector<100x1xf32>,
      %get3A_41 = arith.constant 0 : index
      %get3A_42 = arith.constant 0 : index
      %get3A_43 = vector.load %arg5[%get3A_41, %get3A_42] : memref<100x1xf32, #tpu.memory_space<vmem>>, vector<100x1xf32>
      %max3A = arith.maximumf %get3A_43, %broadcast_in_dim3A_27 : vector<100x1xf32>
      %swap3A_44 = arith.constant 0 : index
      %swap3A_45 = arith.constant 0 : index
      %swap3A_46 = vector.load %arg5[%swap3A_44, %swap3A_45] : memref<100x1xf32, #tpu.memory_space<vmem>>, vector<100x1xf32>
      tpu.vector_store %arg5[%swap3A_44, %swap3A_45], %max3A {strides = array<i32>} : memref<100x1xf32, #tpu.memory_space<vmem>>, vector<100x1xf32>,
    } else {
    }
    return
  }
  func.func @transform_0(%arg0: i32) -> (i32, i32) {
    %c0_i32 = arith.constant 0 : i32
    %c0_i32_0 = arith.constant 0 : i32
    return %arg0, %c0_i32 : i32, i32
  }
  func.func @transform_1(%arg0: i32) -> (i32, i32) {
    %c0_i32 = arith.constant 0 : i32
    %c0_i32_0 = arith.constant 0 : i32
    return %c0_i32, %arg0 : i32, i32
  }
  func.func @transform_2(%arg0: i32) -> (i32, i32) {
    %c0_i32 = arith.constant 0 : i32
    %c0_i32_0 = arith.constant 0 : i32
    return %c0_i32, %arg0 : i32, i32
  }
  func.func @transform_3(%arg0: i32) -> (i32, i32) {
    %c0_i32 = arith.constant 0 : i32
    %c0_i32_0 = arith.constant 0 : i32
    %c0_i32_1 = arith.constant 0 : i32
    return %c0_i32, %c0_i32_0 : i32, i32
  }
  func.func @transform_4(%arg0: i32) -> (i32, i32) {
    %c0_i32 = arith.constant 0 : i32
    %c0_i32_0 = arith.constant 0 : i32
    %c0_i32_1 = arith.constant 0 : i32
    return %c0_i32, %c0_i32_0 : i32, i32
  }
}

module attributes {stable_mosaic.version = 14 : i64} {
  func.func @_edges_body(%arg0: i32, %arg1: memref<1x100x512xf32, #tpu.memory_space<vmem>>, %arg2: memref<1x100x512xf32, #tpu.memory_space<vmem>>, %arg3: memref<100x1xf32, #tpu.memory_space<vmem>>, %arg4: memref<100x1xf32, #tpu.memory_space<vmem>>, %arg5: memref<100x16xf32, #tpu.memory_space<vmem>>, %arg6: memref<100x16xf32, #tpu.memory_space<vmem>>, %arg7: memref<100x16xf32, #tpu.memory_space<vmem>>, %arg8: memref<100x16xf32, #tpu.memory_space<vmem>>, %arg9: memref<100x1xf32, #tpu.memory_space<vmem>>, %arg10: memref<100x16xf32, #tpu.memory_space<vmem>>, %arg11: memref<100x16xf32, #tpu.memory_space<vmem>>, %arg12: memref<100x16xf32, #tpu.memory_space<vmem>>, %arg13: memref<100x16xf32, #tpu.memory_space<vmem>>, %arg14: memref<100x16xf32, #tpu.memory_space<vmem>>, %arg15: memref<100x16xf32, #tpu.memory_space<vmem>>, %arg16: memref<100x16xf32, #tpu.memory_space<vmem>>, %arg17: memref<100x16xf32, #tpu.memory_space<vmem>>) attributes {dimension_semantics = [#tpu.dimension_semantics<arbitrary>], iteration_bounds = array<i64: 16>, scalar_prefetch = 0 : i64, scratch_operands = 9 : i64, tpu.core_type = #tpu.core_type<tc>, window_params = [{transform_indices = @transform_0, window_bounds = array<i64: 1, 100, 512>}, {transform_indices = @transform_1, window_bounds = array<i64: 1, 100, 512>}, {pipeline_mode = #tpu.pipeline_mode<synchronous>, transform_indices = @transform_2, window_bounds = array<i64: 100, 1>}, {pipeline_mode = #tpu.pipeline_mode<synchronous>, transform_indices = @transform_3, window_bounds = array<i64: 100, 1>}, {pipeline_mode = #tpu.pipeline_mode<synchronous>, transform_indices = @transform_4, window_bounds = array<i64: 100, 16>}, {pipeline_mode = #tpu.pipeline_mode<synchronous>, transform_indices = @transform_5, window_bounds = array<i64: 100, 16>}, {pipeline_mode = #tpu.pipeline_mode<synchronous>, transform_indices = @transform_6, window_bounds = array<i64: 100, 16>}, {pipeline_mode = #tpu.pipeline_mode<synchronous>, transform_indices = @transform_7, window_bounds = array<i64: 100, 16>}]} {
    %eq3A = arith.constant 0 : i32
    %eq3A_0 = arith.cmpi eq, %arg0, %eq3A : i32
    %convert_element_type3A = arith.extui %eq3A_0 : i1 to i32
    %cond3A = arith.constant 0 : i32
    %cond3A_1 = arith.cmpi ne, %convert_element_type3A, %cond3A : i32
    scf.if %cond3A_1 {
      %broadcast_in_dim3A_840 = arith.constant 0.000000e+00 : f32
      %broadcast_in_dim3A_841 = vector.broadcast %broadcast_in_dim3A_840 : f32 to vector<100x16xf32>
      %broadcast_in_dim3A_842 = arith.constant 0.000000e+00 : f32
      %broadcast_in_dim3A_843 = vector.broadcast %broadcast_in_dim3A_842 : f32 to vector<100x1xf32>
      %swap3A_844 = arith.constant 0 : index
      %swap3A_845 = arith.constant 0 : index
      %swap3A_846 = vector.load %arg9[%swap3A_844, %swap3A_845] : memref<100x1xf32, #tpu.memory_space<vmem>>, vector<100x1xf32>
      tpu.vector_store %arg9[%swap3A_844, %swap3A_845], %broadcast_in_dim3A_843 {strides = array<i32>} : memref<100x1xf32, #tpu.memory_space<vmem>>, vector<100x1xf32>,
      %swap3A_847 = arith.constant 0 : index
      %swap3A_848 = arith.constant 0 : index
      %swap3A_849 = vector.load %arg10[%swap3A_847, %swap3A_848] : memref<100x16xf32, #tpu.memory_space<vmem>>, vector<100x16xf32>
      tpu.vector_store %arg10[%swap3A_847, %swap3A_848], %broadcast_in_dim3A_841 {strides = array<i32>} : memref<100x16xf32, #tpu.memory_space<vmem>>, vector<100x16xf32>,
      %broadcast_in_dim3A_850 = arith.constant -1.000000e+00 : f32
      %broadcast_in_dim3A_851 = vector.broadcast %broadcast_in_dim3A_850 : f32 to vector<100x16xf32>
      %swap3A_852 = arith.constant 0 : index
      %swap3A_853 = arith.constant 0 : index
      %swap3A_854 = vector.load %arg11[%swap3A_852, %swap3A_853] : memref<100x16xf32, #tpu.memory_space<vmem>>, vector<100x16xf32>
      tpu.vector_store %arg11[%swap3A_852, %swap3A_853], %broadcast_in_dim3A_851 {strides = array<i32>} : memref<100x16xf32, #tpu.memory_space<vmem>>, vector<100x16xf32>,
      %swap3A_855 = arith.constant 0 : index
      %swap3A_856 = arith.constant 0 : index
      %swap3A_857 = vector.load %arg12[%swap3A_855, %swap3A_856] : memref<100x16xf32, #tpu.memory_space<vmem>>, vector<100x16xf32>
      tpu.vector_store %arg12[%swap3A_855, %swap3A_856], %broadcast_in_dim3A_841 {strides = array<i32>} : memref<100x16xf32, #tpu.memory_space<vmem>>, vector<100x16xf32>,
      %swap3A_858 = arith.constant 0 : index
      %swap3A_859 = arith.constant 0 : index
      %swap3A_860 = vector.load %arg13[%swap3A_858, %swap3A_859] : memref<100x16xf32, #tpu.memory_space<vmem>>, vector<100x16xf32>
      tpu.vector_store %arg13[%swap3A_858, %swap3A_859], %broadcast_in_dim3A_841 {strides = array<i32>} : memref<100x16xf32, #tpu.memory_space<vmem>>, vector<100x16xf32>,
      %swap3A_861 = arith.constant 0 : index
      %swap3A_862 = arith.constant 0 : index
      %swap3A_863 = vector.load %arg14[%swap3A_861, %swap3A_862] : memref<100x16xf32, #tpu.memory_space<vmem>>, vector<100x16xf32>
      tpu.vector_store %arg14[%swap3A_861, %swap3A_862], %broadcast_in_dim3A_841 {strides = array<i32>} : memref<100x16xf32, #tpu.memory_space<vmem>>, vector<100x16xf32>,
      %swap3A_864 = arith.constant 0 : index
      %swap3A_865 = arith.constant 0 : index
      %swap3A_866 = vector.load %arg15[%swap3A_864, %swap3A_865] : memref<100x16xf32, #tpu.memory_space<vmem>>, vector<100x16xf32>
      tpu.vector_store %arg15[%swap3A_864, %swap3A_865], %broadcast_in_dim3A_841 {strides = array<i32>} : memref<100x16xf32, #tpu.memory_space<vmem>>, vector<100x16xf32>,
      %swap3A_867 = arith.constant 0 : index
      %swap3A_868 = arith.constant 0 : index
      %swap3A_869 = vector.load %arg16[%swap3A_867, %swap3A_868] : memref<100x16xf32, #tpu.memory_space<vmem>>, vector<100x16xf32>
      tpu.vector_store %arg16[%swap3A_867, %swap3A_868], %broadcast_in_dim3A_841 {strides = array<i32>} : memref<100x16xf32, #tpu.memory_space<vmem>>, vector<100x16xf32>,
      %swap3A_870 = arith.constant 0 : index
      %swap3A_871 = arith.constant 0 : index
      %swap3A_872 = vector.load %arg17[%swap3A_870, %swap3A_871] : memref<100x16xf32, #tpu.memory_space<vmem>>, vector<100x16xf32>
      tpu.vector_store %arg17[%swap3A_870, %swap3A_871], %broadcast_in_dim3A_841 {strides = array<i32>} : memref<100x16xf32, #tpu.memory_space<vmem>>, vector<100x16xf32>,
    } else {
    }
    %get3A = arith.constant 0 : index
    %get3A_2 = arith.constant 0 : index
    %get3A_3 = arith.constant 0 : index
    %get3A_4 = vector.load %arg1[%get3A, %get3A_2, %get3A_3] : memref<1x100x512xf32, #tpu.memory_space<vmem>>, vector<1x100x512xf32>
    %get3A_5 = vector.shape_cast %get3A_4 : vector<1x100x512xf32> to vector<100x512xf32>
    %get3A_6 = arith.constant 0 : index
    %get3A_7 = arith.constant 0 : index
    %get3A_8 = arith.constant 0 : index
    %get3A_9 = vector.load %arg2[%get3A_6, %get3A_7, %get3A_8] : memref<1x100x512xf32, #tpu.memory_space<vmem>>, vector<1x100x512xf32>
    %get3A_10 = vector.shape_cast %get3A_9 : vector<1x100x512xf32> to vector<100x512xf32>
    %mul3A = arith.mulf %get3A_10, %get3A_10 : vector<100x512xf32>
    %max3A = arith.constant 1.000000e+00 : f32
    %max3A_11 = vector.broadcast %max3A : f32 to vector<100x512xf32>
    %max3A_12 = arith.maximumf %get3A_5, %max3A_11 : vector<100x512xf32>
    %div3A = arith.divf %mul3A, %max3A_12 : vector<100x512xf32>
    %iota3A = tpu.iota {dimensions = array<i32: 0>} : vector<512x512xi32>
    %iota3A_13 = tpu.iota {dimensions = array<i32: 1>} : vector<512x512xi32>
    %le3A = arith.cmpi sle, %iota3A, %iota3A_13 : vector<512x512xi32>
    %convert_element_type3A_14 = arith.extui %le3A : vector<512x512xi1> to vector<512x512xi32>
    %convert_element_type3A_15 = arith.sitofp %convert_element_type3A_14 : vector<512x512xi32> to vector<512x512xf32>
    %dot_general3A = arith.constant dense<0.000000e+00> : vector<100x512xf32>
    %dot_general3A_16 = tpu.matmul %get3A_5, %convert_element_type3A_15, %dot_general3A {dimension_numbers = #tpu.dot_dimension_numbers<[1], [0], [0], [1], [0, 0, 1, 1], [], []>, transpose_lhs_hint = false} : vector<100x512xf32>, vector<512x512xf32>, vector<100x512xf32> -> vector<100x512xf32>
    %get3A_17 = arith.constant 0 : index
    %get3A_18 = arith.constant 0 : index
    %get3A_19 = vector.load %arg9[%get3A_17, %get3A_18] : memref<100x1xf32, #tpu.memory_space<vmem>>, vector<100x1xf32>
    %add3A = vector.broadcast %get3A_19 : vector<100x1xf32> to vector<100x512xf32>
    %add3A_20 = arith.addf %dot_general3A_16, %add3A : vector<100x512xf32>
    %slice3A = vector.extract_strided_slice %add3A_20 {offsets = [0, 0], sizes = [100, 511], strides = [1, 1]} : vector<100x512xf32> to vector<100x511xf32>
    %concatenate3A = tpu.concatenate %get3A_19, %slice3A in 1 : vector<100x1xf32>, vector<100x511xf32> -> vector<100x512xf32>
    %slice3A_21 = vector.extract_strided_slice %add3A_20 {offsets = [0, 511], sizes = [100, 1], strides = [1, 1]} : vector<100x512xf32> to vector<100x1xf32>
    %swap3A = arith.constant 0 : index
    %swap3A_22 = arith.constant 0 : index
    %swap3A_23 = vector.load %arg9[%swap3A, %swap3A_22] : memref<100x1xf32, #tpu.memory_space<vmem>>, vector<100x1xf32>
    tpu.vector_store %arg9[%swap3A, %swap3A_22], %slice3A_21 {strides = array<i32>} : memref<100x1xf32, #tpu.memory_space<vmem>>, vector<100x1xf32>,
    %broadcast_in_dim3A = arith.constant 0.000000e+00 : f32
    %broadcast_in_dim3A_24 = vector.broadcast %broadcast_in_dim3A : f32 to vector<100x1xf32>
    %broadcast_in_dim3A_25 = arith.constant -1.000000e+00 : f32
    %broadcast_in_dim3A_26 = vector.broadcast %broadcast_in_dim3A_25 : f32 to vector<100x1xf32>
    %lt3A = arith.constant 4369.56689 : f32
    %lt3A_27 = vector.broadcast %lt3A : f32 to vector<100x512xf32>
    %lt3A_28 = arith.cmpf olt, %add3A_20, %lt3A_27 : vector<100x512xf32>
    %jit3A = arith.constant 1.000000e+00 : f32
    %jit3A_29 = arith.constant 0.000000e+00 : f32
    %broadcast_in_dim3A_30 = vector.broadcast %jit3A : f32 to vector<100x512xf32>
    %broadcast_in_dim3A_31 = vector.broadcast %jit3A_29 : f32 to vector<100x512xf32>
    %select_n3A = arith.select %lt3A_28, %broadcast_in_dim3A_30, %broadcast_in_dim3A_31 : vector<100x512xi1>, vector<100x512xf32>
    %ge3A = arith.constant 4369.56689 : f32
    %ge3A_32 = vector.broadcast %ge3A : f32 to vector<100x512xf32>
    %ge3A_33 = arith.cmpf oge, %add3A_20, %ge3A_32 : vector<100x512xf32>
    %lt3A_34 = arith.constant 4369.56689 : f32
    %lt3A_35 = vector.broadcast %lt3A_34 : f32 to vector<100x512xf32>
    %lt3A_36 = arith.cmpf olt, %concatenate3A, %lt3A_35 : vector<100x512xf32>
    %and3A = arith.andi %ge3A_33, %lt3A_36 : vector<100x512xi1>
    %jit3A_37 = arith.constant 1.000000e+00 : f32
    %jit3A_38 = arith.constant 0.000000e+00 : f32
    %broadcast_in_dim3A_39 = vector.broadcast %jit3A_37 : f32 to vector<100x512xf32>
    %broadcast_in_dim3A_40 = vector.broadcast %jit3A_38 : f32 to vector<100x512xf32>
    %select_n3A_41 = arith.select %and3A, %broadcast_in_dim3A_39, %broadcast_in_dim3A_40 : vector<100x512xi1>, vector<100x512xf32>
    %reduce_sum3A = arith.constant dense<0.000000e+00> : vector<100xf32>
    %reduce_sum3A_42 = vector.multi_reduction <add>, %select_n3A, %reduce_sum3A [1] : vector<100x512xf32> to vector<100xf32>
    %broadcast_in_dim3A_43 = vector.shape_cast %reduce_sum3A_42 : vector<100xf32> to vector<100x1xf32>
    %jit3A_44 = arith.constant -1.000000e+00 : f32
    %broadcast_in_dim3A_45 = vector.broadcast %jit3A_44 : f32 to vector<100x512xf32>
    %select_n3A_46 = arith.select %lt3A_28, %add3A_20, %broadcast_in_dim3A_45 : vector<100x512xi1>, vector<100x512xf32>
    %reduce_max3A = arith.constant dense<0xFF800000> : vector<100xf32>
    %reduce_max3A_47 = vector.multi_reduction <maximumf>, %select_n3A_46, %reduce_max3A [1] : vector<100x512xf32> to vector<100xf32>
    %broadcast_in_dim3A_48 = vector.shape_cast %reduce_max3A_47 : vector<100xf32> to vector<100x1xf32>
    %mul3A_49 = arith.mulf %get3A_5, %select_n3A : vector<100x512xf32>
    %reduce_sum3A_50 = arith.constant dense<0.000000e+00> : vector<100xf32>
    %reduce_sum3A_51 = vector.multi_reduction <add>, %mul3A_49, %reduce_sum3A_50 [1] : vector<100x512xf32> to vector<100xf32>
    %broadcast_in_dim3A_52 = vector.shape_cast %reduce_sum3A_51 : vector<100xf32> to vector<100x1xf32>
    %mul3A_53 = arith.mulf %get3A_5, %select_n3A_41 : vector<100x512xf32>
    %reduce_sum3A_54 = arith.constant dense<0.000000e+00> : vector<100xf32>
    %reduce_sum3A_55 = vector.multi_reduction <add>, %mul3A_53, %reduce_sum3A_54 [1] : vector<100x512xf32> to vector<100xf32>
    %broadcast_in_dim3A_56 = vector.shape_cast %reduce_sum3A_55 : vector<100xf32> to vector<100x1xf32>
    %mul3A_57 = arith.mulf %get3A_10, %select_n3A : vector<100x512xf32>
    %reduce_sum3A_58 = arith.constant dense<0.000000e+00> : vector<100xf32>
    %reduce_sum3A_59 = vector.multi_reduction <add>, %mul3A_57, %reduce_sum3A_58 [1] : vector<100x512xf32> to vector<100xf32>
    %broadcast_in_dim3A_60 = vector.shape_cast %reduce_sum3A_59 : vector<100xf32> to vector<100x1xf32>
    %mul3A_61 = arith.mulf %get3A_10, %select_n3A_41 : vector<100x512xf32>
    %reduce_sum3A_62 = arith.constant dense<0.000000e+00> : vector<100xf32>
    %reduce_sum3A_63 = vector.multi_reduction <add>, %mul3A_61, %reduce_sum3A_62 [1] : vector<100x512xf32> to vector<100xf32>
    %broadcast_in_dim3A_64 = vector.shape_cast %reduce_sum3A_63 : vector<100xf32> to vector<100x1xf32>
    %mul3A_65 = arith.mulf %div3A, %select_n3A : vector<100x512xf32>
    %reduce_sum3A_66 = arith.constant dense<0.000000e+00> : vector<100xf32>
    %reduce_sum3A_67 = vector.multi_reduction <add>, %mul3A_65, %reduce_sum3A_66 [1] : vector<100x512xf32> to vector<100xf32>
    %broadcast_in_dim3A_68 = vector.shape_cast %reduce_sum3A_67 : vector<100xf32> to vector<100x1xf32>
    %mul3A_69 = arith.mulf %div3A, %select_n3A_41 : vector<100x512xf32>
    %reduce_sum3A_70 = arith.constant dense<0.000000e+00> : vector<100xf32>
    %reduce_sum3A_71 = vector.multi_reduction <add>, %mul3A_69, %reduce_sum3A_70 [1] : vector<100x512xf32> to vector<100xf32>
    %broadcast_in_dim3A_72 = vector.shape_cast %reduce_sum3A_71 : vector<100xf32> to vector<100x1xf32>
    %lt3A_73 = arith.constant 8738.63378 : f32
    %lt3A_74 = vector.broadcast %lt3A_73 : f32 to vector<100x512xf32>
    %lt3A_75 = arith.cmpf olt, %add3A_20, %lt3A_74 : vector<100x512xf32>
    %jit3A_76 = arith.constant 1.000000e+00 : f32
    %jit3A_77 = arith.constant 0.000000e+00 : f32
    %broadcast_in_dim3A_78 = vector.broadcast %jit3A_76 : f32 to vector<100x512xf32>
    %broadcast_in_dim3A_79 = vector.broadcast %jit3A_77 : f32 to vector<100x512xf32>
    %select_n3A_80 = arith.select %lt3A_75, %broadcast_in_dim3A_78, %broadcast_in_dim3A_79 : vector<100x512xi1>, vector<100x512xf32>
    %ge3A_81 = arith.constant 8738.63378 : f32
    %ge3A_82 = vector.broadcast %ge3A_81 : f32 to vector<100x512xf32>
    %ge3A_83 = arith.cmpf oge, %add3A_20, %ge3A_82 : vector<100x512xf32>
    %lt3A_84 = arith.constant 8738.63378 : f32
    %lt3A_85 = vector.broadcast %lt3A_84 : f32 to vector<100x512xf32>
    %lt3A_86 = arith.cmpf olt, %concatenate3A, %lt3A_85 : vector<100x512xf32>
    %and3A_87 = arith.andi %ge3A_83, %lt3A_86 : vector<100x512xi1>
    %jit3A_88 = arith.constant 1.000000e+00 : f32
    %jit3A_89 = arith.constant 0.000000e+00 : f32
    %broadcast_in_dim3A_90 = vector.broadcast %jit3A_88 : f32 to vector<100x512xf32>
    %broadcast_in_dim3A_91 = vector.broadcast %jit3A_89 : f32 to vector<100x512xf32>
    %select_n3A_92 = arith.select %and3A_87, %broadcast_in_dim3A_90, %broadcast_in_dim3A_91 : vector<100x512xi1>, vector<100x512xf32>
    %reduce_sum3A_93 = arith.constant dense<0.000000e+00> : vector<100xf32>
    %reduce_sum3A_94 = vector.multi_reduction <add>, %select_n3A_80, %reduce_sum3A_93 [1] : vector<100x512xf32> to vector<100xf32>
    %broadcast_in_dim3A_95 = vector.shape_cast %reduce_sum3A_94 : vector<100xf32> to vector<100x1xf32>
    %jit3A_96 = arith.constant -1.000000e+00 : f32
    %broadcast_in_dim3A_97 = vector.broadcast %jit3A_96 : f32 to vector<100x512xf32>
    %select_n3A_98 = arith.select %lt3A_75, %add3A_20, %broadcast_in_dim3A_97 : vector<100x512xi1>, vector<100x512xf32>
    %reduce_max3A_99 = arith.constant dense<0xFF800000> : vector<100xf32>
    %reduce_max3A_100 = vector.multi_reduction <maximumf>, %select_n3A_98, %reduce_max3A_99 [1] : vector<100x512xf32> to vector<100xf32>
    %broadcast_in_dim3A_101 = vector.shape_cast %reduce_max3A_100 : vector<100xf32> to vector<100x1xf32>
    %mul3A_102 = arith.mulf %get3A_5, %select_n3A_80 : vector<100x512xf32>
    %reduce_sum3A_103 = arith.constant dense<0.000000e+00> : vector<100xf32>
    %reduce_sum3A_104 = vector.multi_reduction <add>, %mul3A_102, %reduce_sum3A_103 [1] : vector<100x512xf32> to vector<100xf32>
    %broadcast_in_dim3A_105 = vector.shape_cast %reduce_sum3A_104 : vector<100xf32> to vector<100x1xf32>
    %mul3A_106 = arith.mulf %get3A_5, %select_n3A_92 : vector<100x512xf32>
    %reduce_sum3A_107 = arith.constant dense<0.000000e+00> : vector<100xf32>
    %reduce_sum3A_108 = vector.multi_reduction <add>, %mul3A_106, %reduce_sum3A_107 [1] : vector<100x512xf32> to vector<100xf32>
    %broadcast_in_dim3A_109 = vector.shape_cast %reduce_sum3A_108 : vector<100xf32> to vector<100x1xf32>
    %mul3A_110 = arith.mulf %get3A_10, %select_n3A_80 : vector<100x512xf32>
    %reduce_sum3A_111 = arith.constant dense<0.000000e+00> : vector<100xf32>
    %reduce_sum3A_112 = vector.multi_reduction <add>, %mul3A_110, %reduce_sum3A_111 [1] : vector<100x512xf32> to vector<100xf32>
    %broadcast_in_dim3A_113 = vector.shape_cast %reduce_sum3A_112 : vector<100xf32> to vector<100x1xf32>
    %mul3A_114 = arith.mulf %get3A_10, %select_n3A_92 : vector<100x512xf32>
    %reduce_sum3A_115 = arith.constant dense<0.000000e+00> : vector<100xf32>
    %reduce_sum3A_116 = vector.multi_reduction <add>, %mul3A_114, %reduce_sum3A_115 [1] : vector<100x512xf32> to vector<100xf32>
    %broadcast_in_dim3A_117 = vector.shape_cast %reduce_sum3A_116 : vector<100xf32> to vector<100x1xf32>
    %mul3A_118 = arith.mulf %div3A, %select_n3A_80 : vector<100x512xf32>
    %reduce_sum3A_119 = arith.constant dense<0.000000e+00> : vector<100xf32>
    %reduce_sum3A_120 = vector.multi_reduction <add>, %mul3A_118, %reduce_sum3A_119 [1] : vector<100x512xf32> to vector<100xf32>
    %broadcast_in_dim3A_121 = vector.shape_cast %reduce_sum3A_120 : vector<100xf32> to vector<100x1xf32>
    %mul3A_122 = arith.mulf %div3A, %select_n3A_92 : vector<100x512xf32>
    %reduce_sum3A_123 = arith.constant dense<0.000000e+00> : vector<100xf32>
    %reduce_sum3A_124 = vector.multi_reduction <add>, %mul3A_122, %reduce_sum3A_123 [1] : vector<100x512xf32> to vector<100xf32>
    %broadcast_in_dim3A_125 = vector.shape_cast %reduce_sum3A_124 : vector<100xf32> to vector<100x1xf32>
    %lt3A_126 = arith.constant 1.310770e+04 : f32
    %lt3A_127 = vector.broadcast %lt3A_126 : f32 to vector<100x512xf32>
    %lt3A_128 = arith.cmpf olt, %add3A_20, %lt3A_127 : vector<100x512xf32>
    %jit3A_129 = arith.constant 1.000000e+00 : f32
    %jit3A_130 = arith.constant 0.000000e+00 : f32
    %broadcast_in_dim3A_131 = vector.broadcast %jit3A_129 : f32 to vector<100x512xf32>
    %broadcast_in_dim3A_132 = vector.broadcast %jit3A_130 : f32 to vector<100x512xf32>
    %select_n3A_133 = arith.select %lt3A_128, %broadcast_in_dim3A_131, %broadcast_in_dim3A_132 : vector<100x512xi1>, vector<100x512xf32>
    %ge3A_134 = arith.constant 1.310770e+04 : f32
    %ge3A_135 = vector.broadcast %ge3A_134 : f32 to vector<100x512xf32>
    %ge3A_136 = arith.cmpf oge, %add3A_20, %ge3A_135 : vector<100x512xf32>
    %lt3A_137 = arith.constant 1.310770e+04 : f32
    %lt3A_138 = vector.broadcast %lt3A_137 : f32 to vector<100x512xf32>
    %lt3A_139 = arith.cmpf olt, %concatenate3A, %lt3A_138 : vector<100x512xf32>
    %and3A_140 = arith.andi %ge3A_136, %lt3A_139 : vector<100x512xi1>
    %jit3A_141 = arith.constant 1.000000e+00 : f32
    %jit3A_142 = arith.constant 0.000000e+00 : f32
    %broadcast_in_dim3A_143 = vector.broadcast %jit3A_141 : f32 to vector<100x512xf32>
    %broadcast_in_dim3A_144 = vector.broadcast %jit3A_142 : f32 to vector<100x512xf32>
    %select_n3A_145 = arith.select %and3A_140, %broadcast_in_dim3A_143, %broadcast_in_dim3A_144 : vector<100x512xi1>, vector<100x512xf32>
    %reduce_sum3A_146 = arith.constant dense<0.000000e+00> : vector<100xf32>
    %reduce_sum3A_147 = vector.multi_reduction <add>, %select_n3A_133, %reduce_sum3A_146 [1] : vector<100x512xf32> to vector<100xf32>
    %broadcast_in_dim3A_148 = vector.shape_cast %reduce_sum3A_147 : vector<100xf32> to vector<100x1xf32>
    %jit3A_149 = arith.constant -1.000000e+00 : f32
    %broadcast_in_dim3A_150 = vector.broadcast %jit3A_149 : f32 to vector<100x512xf32>
    %select_n3A_151 = arith.select %lt3A_128, %add3A_20, %broadcast_in_dim3A_150 : vector<100x512xi1>, vector<100x512xf32>
    %reduce_max3A_152 = arith.constant dense<0xFF800000> : vector<100xf32>
    %reduce_max3A_153 = vector.multi_reduction <maximumf>, %select_n3A_151, %reduce_max3A_152 [1] : vector<100x512xf32> to vector<100xf32>
    %broadcast_in_dim3A_154 = vector.shape_cast %reduce_max3A_153 : vector<100xf32> to vector<100x1xf32>
    %mul3A_155 = arith.mulf %get3A_5, %select_n3A_133 : vector<100x512xf32>
    %reduce_sum3A_156 = arith.constant dense<0.000000e+00> : vector<100xf32>
    %reduce_sum3A_157 = vector.multi_reduction <add>, %mul3A_155, %reduce_sum3A_156 [1] : vector<100x512xf32> to vector<100xf32>
    %broadcast_in_dim3A_158 = vector.shape_cast %reduce_sum3A_157 : vector<100xf32> to vector<100x1xf32>
    %mul3A_159 = arith.mulf %get3A_5, %select_n3A_145 : vector<100x512xf32>
    %reduce_sum3A_160 = arith.constant dense<0.000000e+00> : vector<100xf32>
    %reduce_sum3A_161 = vector.multi_reduction <add>, %mul3A_159, %reduce_sum3A_160 [1] : vector<100x512xf32> to vector<100xf32>
    %broadcast_in_dim3A_162 = vector.shape_cast %reduce_sum3A_161 : vector<100xf32> to vector<100x1xf32>
    %mul3A_163 = arith.mulf %get3A_10, %select_n3A_133 : vector<100x512xf32>
    %reduce_sum3A_164 = arith.constant dense<0.000000e+00> : vector<100xf32>
    %reduce_sum3A_165 = vector.multi_reduction <add>, %mul3A_163, %reduce_sum3A_164 [1] : vector<100x512xf32> to vector<100xf32>
    %broadcast_in_dim3A_166 = vector.shape_cast %reduce_sum3A_165 : vector<100xf32> to vector<100x1xf32>
    %mul3A_167 = arith.mulf %get3A_10, %select_n3A_145 : vector<100x512xf32>
    %reduce_sum3A_168 = arith.constant dense<0.000000e+00> : vector<100xf32>
    %reduce_sum3A_169 = vector.multi_reduction <add>, %mul3A_167, %reduce_sum3A_168 [1] : vector<100x512xf32> to vector<100xf32>
    %broadcast_in_dim3A_170 = vector.shape_cast %reduce_sum3A_169 : vector<100xf32> to vector<100x1xf32>
    %mul3A_171 = arith.mulf %div3A, %select_n3A_133 : vector<100x512xf32>
    %reduce_sum3A_172 = arith.constant dense<0.000000e+00> : vector<100xf32>
    %reduce_sum3A_173 = vector.multi_reduction <add>, %mul3A_171, %reduce_sum3A_172 [1] : vector<100x512xf32> to vector<100xf32>
    %broadcast_in_dim3A_174 = vector.shape_cast %reduce_sum3A_173 : vector<100xf32> to vector<100x1xf32>
    %mul3A_175 = arith.mulf %div3A, %select_n3A_145 : vector<100x512xf32>
    %reduce_sum3A_176 = arith.constant dense<0.000000e+00> : vector<100xf32>
    %reduce_sum3A_177 = vector.multi_reduction <add>, %mul3A_175, %reduce_sum3A_176 [1] : vector<100x512xf32> to vector<100xf32>
    %broadcast_in_dim3A_178 = vector.shape_cast %reduce_sum3A_177 : vector<100xf32> to vector<100x1xf32>
    %lt3A_179 = arith.constant 17476.7676 : f32
    %lt3A_180 = vector.broadcast %lt3A_179 : f32 to vector<100x512xf32>
    %lt3A_181 = arith.cmpf olt, %add3A_20, %lt3A_180 : vector<100x512xf32>
    %jit3A_182 = arith.constant 1.000000e+00 : f32
    %jit3A_183 = arith.constant 0.000000e+00 : f32
    %broadcast_in_dim3A_184 = vector.broadcast %jit3A_182 : f32 to vector<100x512xf32>
    %broadcast_in_dim3A_185 = vector.broadcast %jit3A_183 : f32 to vector<100x512xf32>
    %select_n3A_186 = arith.select %lt3A_181, %broadcast_in_dim3A_184, %broadcast_in_dim3A_185 : vector<100x512xi1>, vector<100x512xf32>
    %ge3A_187 = arith.constant 17476.7676 : f32
    %ge3A_188 = vector.broadcast %ge3A_187 : f32 to vector<100x512xf32>
    %ge3A_189 = arith.cmpf oge, %add3A_20, %ge3A_188 : vector<100x512xf32>
    %lt3A_190 = arith.constant 17476.7676 : f32
    %lt3A_191 = vector.broadcast %lt3A_190 : f32 to vector<100x512xf32>
    %lt3A_192 = arith.cmpf olt, %concatenate3A, %lt3A_191 : vector<100x512xf32>
    %and3A_193 = arith.andi %ge3A_189, %lt3A_192 : vector<100x512xi1>
    %jit3A_194 = arith.constant 1.000000e+00 : f32
    %jit3A_195 = arith.constant 0.000000e+00 : f32
    %broadcast_in_dim3A_196 = vector.broadcast %jit3A_194 : f32 to vector<100x512xf32>
    %broadcast_in_dim3A_197 = vector.broadcast %jit3A_195 : f32 to vector<100x512xf32>
    %select_n3A_198 = arith.select %and3A_193, %broadcast_in_dim3A_196, %broadcast_in_dim3A_197 : vector<100x512xi1>, vector<100x512xf32>
    %reduce_sum3A_199 = arith.constant dense<0.000000e+00> : vector<100xf32>
    %reduce_sum3A_200 = vector.multi_reduction <add>, %select_n3A_186, %reduce_sum3A_199 [1] : vector<100x512xf32> to vector<100xf32>
    %broadcast_in_dim3A_201 = vector.shape_cast %reduce_sum3A_200 : vector<100xf32> to vector<100x1xf32>
    %jit3A_202 = arith.constant -1.000000e+00 : f32
    %broadcast_in_dim3A_203 = vector.broadcast %jit3A_202 : f32 to vector<100x512xf32>
    %select_n3A_204 = arith.select %lt3A_181, %add3A_20, %broadcast_in_dim3A_203 : vector<100x512xi1>, vector<100x512xf32>
    %reduce_max3A_205 = arith.constant dense<0xFF800000> : vector<100xf32>
    %reduce_max3A_206 = vector.multi_reduction <maximumf>, %select_n3A_204, %reduce_max3A_205 [1] : vector<100x512xf32> to vector<100xf32>
    %broadcast_in_dim3A_207 = vector.shape_cast %reduce_max3A_206 : vector<100xf32> to vector<100x1xf32>
    %mul3A_208 = arith.mulf %get3A_5, %select_n3A_186 : vector<100x512xf32>
    %reduce_sum3A_209 = arith.constant dense<0.000000e+00> : vector<100xf32>
    %reduce_sum3A_210 = vector.multi_reduction <add>, %mul3A_208, %reduce_sum3A_209 [1] : vector<100x512xf32> to vector<100xf32>
    %broadcast_in_dim3A_211 = vector.shape_cast %reduce_sum3A_210 : vector<100xf32> to vector<100x1xf32>
    %mul3A_212 = arith.mulf %get3A_5, %select_n3A_198 : vector<100x512xf32>
    %reduce_sum3A_213 = arith.constant dense<0.000000e+00> : vector<100xf32>
    %reduce_sum3A_214 = vector.multi_reduction <add>, %mul3A_212, %reduce_sum3A_213 [1] : vector<100x512xf32> to vector<100xf32>
    %broadcast_in_dim3A_215 = vector.shape_cast %reduce_sum3A_214 : vector<100xf32> to vector<100x1xf32>
    %mul3A_216 = arith.mulf %get3A_10, %select_n3A_186 : vector<100x512xf32>
    %reduce_sum3A_217 = arith.constant dense<0.000000e+00> : vector<100xf32>
    %reduce_sum3A_218 = vector.multi_reduction <add>, %mul3A_216, %reduce_sum3A_217 [1] : vector<100x512xf32> to vector<100xf32>
    %broadcast_in_dim3A_219 = vector.shape_cast %reduce_sum3A_218 : vector<100xf32> to vector<100x1xf32>
    %mul3A_220 = arith.mulf %get3A_10, %select_n3A_198 : vector<100x512xf32>
    %reduce_sum3A_221 = arith.constant dense<0.000000e+00> : vector<100xf32>
    %reduce_sum3A_222 = vector.multi_reduction <add>, %mul3A_220, %reduce_sum3A_221 [1] : vector<100x512xf32> to vector<100xf32>
    %broadcast_in_dim3A_223 = vector.shape_cast %reduce_sum3A_222 : vector<100xf32> to vector<100x1xf32>
    %mul3A_224 = arith.mulf %div3A, %select_n3A_186 : vector<100x512xf32>
    %reduce_sum3A_225 = arith.constant dense<0.000000e+00> : vector<100xf32>
    %reduce_sum3A_226 = vector.multi_reduction <add>, %mul3A_224, %reduce_sum3A_225 [1] : vector<100x512xf32> to vector<100xf32>
    %broadcast_in_dim3A_227 = vector.shape_cast %reduce_sum3A_226 : vector<100xf32> to vector<100x1xf32>
    %mul3A_228 = arith.mulf %div3A, %select_n3A_198 : vector<100x512xf32>
    %reduce_sum3A_229 = arith.constant dense<0.000000e+00> : vector<100xf32>
    %reduce_sum3A_230 = vector.multi_reduction <add>, %mul3A_228, %reduce_sum3A_229 [1] : vector<100x512xf32> to vector<100xf32>
    %broadcast_in_dim3A_231 = vector.shape_cast %reduce_sum3A_230 : vector<100xf32> to vector<100x1xf32>
    %lt3A_232 = arith.constant 21845.834 : f32
    %lt3A_233 = vector.broadcast %lt3A_232 : f32 to vector<100x512xf32>
    %lt3A_234 = arith.cmpf olt, %add3A_20, %lt3A_233 : vector<100x512xf32>
    %jit3A_235 = arith.constant 1.000000e+00 : f32
    %jit3A_236 = arith.constant 0.000000e+00 : f32
    %broadcast_in_dim3A_237 = vector.broadcast %jit3A_235 : f32 to vector<100x512xf32>
    %broadcast_in_dim3A_238 = vector.broadcast %jit3A_236 : f32 to vector<100x512xf32>
    %select_n3A_239 = arith.select %lt3A_234, %broadcast_in_dim3A_237, %broadcast_in_dim3A_238 : vector<100x512xi1>, vector<100x512xf32>
    %ge3A_240 = arith.constant 21845.834 : f32
    %ge3A_241 = vector.broadcast %ge3A_240 : f32 to vector<100x512xf32>
    %ge3A_242 = arith.cmpf oge, %add3A_20, %ge3A_241 : vector<100x512xf32>
    %lt3A_243 = arith.constant 21845.834 : f32
    %lt3A_244 = vector.broadcast %lt3A_243 : f32 to vector<100x512xf32>
    %lt3A_245 = arith.cmpf olt, %concatenate3A, %lt3A_244 : vector<100x512xf32>
    %and3A_246 = arith.andi %ge3A_242, %lt3A_245 : vector<100x512xi1>
    %jit3A_247 = arith.constant 1.000000e+00 : f32
    %jit3A_248 = arith.constant 0.000000e+00 : f32
    %broadcast_in_dim3A_249 = vector.broadcast %jit3A_247 : f32 to vector<100x512xf32>
    %broadcast_in_dim3A_250 = vector.broadcast %jit3A_248 : f32 to vector<100x512xf32>
    %select_n3A_251 = arith.select %and3A_246, %broadcast_in_dim3A_249, %broadcast_in_dim3A_250 : vector<100x512xi1>, vector<100x512xf32>
    %reduce_sum3A_252 = arith.constant dense<0.000000e+00> : vector<100xf32>
    %reduce_sum3A_253 = vector.multi_reduction <add>, %select_n3A_239, %reduce_sum3A_252 [1] : vector<100x512xf32> to vector<100xf32>
    %broadcast_in_dim3A_254 = vector.shape_cast %reduce_sum3A_253 : vector<100xf32> to vector<100x1xf32>
    %jit3A_255 = arith.constant -1.000000e+00 : f32
    %broadcast_in_dim3A_256 = vector.broadcast %jit3A_255 : f32 to vector<100x512xf32>
    %select_n3A_257 = arith.select %lt3A_234, %add3A_20, %broadcast_in_dim3A_256 : vector<100x512xi1>, vector<100x512xf32>
    %reduce_max3A_258 = arith.constant dense<0xFF800000> : vector<100xf32>
    %reduce_max3A_259 = vector.multi_reduction <maximumf>, %select_n3A_257, %reduce_max3A_258 [1] : vector<100x512xf32> to vector<100xf32>
    %broadcast_in_dim3A_260 = vector.shape_cast %reduce_max3A_259 : vector<100xf32> to vector<100x1xf32>
    %mul3A_261 = arith.mulf %get3A_5, %select_n3A_239 : vector<100x512xf32>
    %reduce_sum3A_262 = arith.constant dense<0.000000e+00> : vector<100xf32>
    %reduce_sum3A_263 = vector.multi_reduction <add>, %mul3A_261, %reduce_sum3A_262 [1] : vector<100x512xf32> to vector<100xf32>
    %broadcast_in_dim3A_264 = vector.shape_cast %reduce_sum3A_263 : vector<100xf32> to vector<100x1xf32>
    %mul3A_265 = arith.mulf %get3A_5, %select_n3A_251 : vector<100x512xf32>
    %reduce_sum3A_266 = arith.constant dense<0.000000e+00> : vector<100xf32>
    %reduce_sum3A_267 = vector.multi_reduction <add>, %mul3A_265, %reduce_sum3A_266 [1] : vector<100x512xf32> to vector<100xf32>
    %broadcast_in_dim3A_268 = vector.shape_cast %reduce_sum3A_267 : vector<100xf32> to vector<100x1xf32>
    %mul3A_269 = arith.mulf %get3A_10, %select_n3A_239 : vector<100x512xf32>
    %reduce_sum3A_270 = arith.constant dense<0.000000e+00> : vector<100xf32>
    %reduce_sum3A_271 = vector.multi_reduction <add>, %mul3A_269, %reduce_sum3A_270 [1] : vector<100x512xf32> to vector<100xf32>
    %broadcast_in_dim3A_272 = vector.shape_cast %reduce_sum3A_271 : vector<100xf32> to vector<100x1xf32>
    %mul3A_273 = arith.mulf %get3A_10, %select_n3A_251 : vector<100x512xf32>
    %reduce_sum3A_274 = arith.constant dense<0.000000e+00> : vector<100xf32>
    %reduce_sum3A_275 = vector.multi_reduction <add>, %mul3A_273, %reduce_sum3A_274 [1] : vector<100x512xf32> to vector<100xf32>
    %broadcast_in_dim3A_276 = vector.shape_cast %reduce_sum3A_275 : vector<100xf32> to vector<100x1xf32>
    %mul3A_277 = arith.mulf %div3A, %select_n3A_239 : vector<100x512xf32>
    %reduce_sum3A_278 = arith.constant dense<0.000000e+00> : vector<100xf32>
    %reduce_sum3A_279 = vector.multi_reduction <add>, %mul3A_277, %reduce_sum3A_278 [1] : vector<100x512xf32> to vector<100xf32>
    %broadcast_in_dim3A_280 = vector.shape_cast %reduce_sum3A_279 : vector<100xf32> to vector<100x1xf32>
    %mul3A_281 = arith.mulf %div3A, %select_n3A_251 : vector<100x512xf32>
    %reduce_sum3A_282 = arith.constant dense<0.000000e+00> : vector<100xf32>
    %reduce_sum3A_283 = vector.multi_reduction <add>, %mul3A_281, %reduce_sum3A_282 [1] : vector<100x512xf32> to vector<100xf32>
    %broadcast_in_dim3A_284 = vector.shape_cast %reduce_sum3A_283 : vector<100xf32> to vector<100x1xf32>
    %lt3A_285 = arith.constant 2.621490e+04 : f32
    %lt3A_286 = vector.broadcast %lt3A_285 : f32 to vector<100x512xf32>
    %lt3A_287 = arith.cmpf olt, %add3A_20, %lt3A_286 : vector<100x512xf32>
    %jit3A_288 = arith.constant 1.000000e+00 : f32
    %jit3A_289 = arith.constant 0.000000e+00 : f32
    %broadcast_in_dim3A_290 = vector.broadcast %jit3A_288 : f32 to vector<100x512xf32>
    %broadcast_in_dim3A_291 = vector.broadcast %jit3A_289 : f32 to vector<100x512xf32>
    %select_n3A_292 = arith.select %lt3A_287, %broadcast_in_dim3A_290, %broadcast_in_dim3A_291 : vector<100x512xi1>, vector<100x512xf32>
    %ge3A_293 = arith.constant 2.621490e+04 : f32
    %ge3A_294 = vector.broadcast %ge3A_293 : f32 to vector<100x512xf32>
    %ge3A_295 = arith.cmpf oge, %add3A_20, %ge3A_294 : vector<100x512xf32>
    %lt3A_296 = arith.constant 2.621490e+04 : f32
    %lt3A_297 = vector.broadcast %lt3A_296 : f32 to vector<100x512xf32>
    %lt3A_298 = arith.cmpf olt, %concatenate3A, %lt3A_297 : vector<100x512xf32>
    %and3A_299 = arith.andi %ge3A_295, %lt3A_298 : vector<100x512xi1>
    %jit3A_300 = arith.constant 1.000000e+00 : f32
    %jit3A_301 = arith.constant 0.000000e+00 : f32
    %broadcast_in_dim3A_302 = vector.broadcast %jit3A_300 : f32 to vector<100x512xf32>
    %broadcast_in_dim3A_303 = vector.broadcast %jit3A_301 : f32 to vector<100x512xf32>
    %select_n3A_304 = arith.select %and3A_299, %broadcast_in_dim3A_302, %broadcast_in_dim3A_303 : vector<100x512xi1>, vector<100x512xf32>
    %reduce_sum3A_305 = arith.constant dense<0.000000e+00> : vector<100xf32>
    %reduce_sum3A_306 = vector.multi_reduction <add>, %select_n3A_292, %reduce_sum3A_305 [1] : vector<100x512xf32> to vector<100xf32>
    %broadcast_in_dim3A_307 = vector.shape_cast %reduce_sum3A_306 : vector<100xf32> to vector<100x1xf32>
    %jit3A_308 = arith.constant -1.000000e+00 : f32
    %broadcast_in_dim3A_309 = vector.broadcast %jit3A_308 : f32 to vector<100x512xf32>
    %select_n3A_310 = arith.select %lt3A_287, %add3A_20, %broadcast_in_dim3A_309 : vector<100x512xi1>, vector<100x512xf32>
    %reduce_max3A_311 = arith.constant dense<0xFF800000> : vector<100xf32>
    %reduce_max3A_312 = vector.multi_reduction <maximumf>, %select_n3A_310, %reduce_max3A_311 [1] : vector<100x512xf32> to vector<100xf32>
    %broadcast_in_dim3A_313 = vector.shape_cast %reduce_max3A_312 : vector<100xf32> to vector<100x1xf32>
    %mul3A_314 = arith.mulf %get3A_5, %select_n3A_292 : vector<100x512xf32>
    %reduce_sum3A_315 = arith.constant dense<0.000000e+00> : vector<100xf32>
    %reduce_sum3A_316 = vector.multi_reduction <add>, %mul3A_314, %reduce_sum3A_315 [1] : vector<100x512xf32> to vector<100xf32>
    %broadcast_in_dim3A_317 = vector.shape_cast %reduce_sum3A_316 : vector<100xf32> to vector<100x1xf32>
    %mul3A_318 = arith.mulf %get3A_5, %select_n3A_304 : vector<100x512xf32>
    %reduce_sum3A_319 = arith.constant dense<0.000000e+00> : vector<100xf32>
    %reduce_sum3A_320 = vector.multi_reduction <add>, %mul3A_318, %reduce_sum3A_319 [1] : vector<100x512xf32> to vector<100xf32>
    %broadcast_in_dim3A_321 = vector.shape_cast %reduce_sum3A_320 : vector<100xf32> to vector<100x1xf32>
    %mul3A_322 = arith.mulf %get3A_10, %select_n3A_292 : vector<100x512xf32>
    %reduce_sum3A_323 = arith.constant dense<0.000000e+00> : vector<100xf32>
    %reduce_sum3A_324 = vector.multi_reduction <add>, %mul3A_322, %reduce_sum3A_323 [1] : vector<100x512xf32> to vector<100xf32>
    %broadcast_in_dim3A_325 = vector.shape_cast %reduce_sum3A_324 : vector<100xf32> to vector<100x1xf32>
    %mul3A_326 = arith.mulf %get3A_10, %select_n3A_304 : vector<100x512xf32>
    %reduce_sum3A_327 = arith.constant dense<0.000000e+00> : vector<100xf32>
    %reduce_sum3A_328 = vector.multi_reduction <add>, %mul3A_326, %reduce_sum3A_327 [1] : vector<100x512xf32> to vector<100xf32>
    %broadcast_in_dim3A_329 = vector.shape_cast %reduce_sum3A_328 : vector<100xf32> to vector<100x1xf32>
    %mul3A_330 = arith.mulf %div3A, %select_n3A_292 : vector<100x512xf32>
    %reduce_sum3A_331 = arith.constant dense<0.000000e+00> : vector<100xf32>
    %reduce_sum3A_332 = vector.multi_reduction <add>, %mul3A_330, %reduce_sum3A_331 [1] : vector<100x512xf32> to vector<100xf32>
    %broadcast_in_dim3A_333 = vector.shape_cast %reduce_sum3A_332 : vector<100xf32> to vector<100x1xf32>
    %mul3A_334 = arith.mulf %div3A, %select_n3A_304 : vector<100x512xf32>
    %reduce_sum3A_335 = arith.constant dense<0.000000e+00> : vector<100xf32>
    %reduce_sum3A_336 = vector.multi_reduction <add>, %mul3A_334, %reduce_sum3A_335 [1] : vector<100x512xf32> to vector<100xf32>
    %broadcast_in_dim3A_337 = vector.shape_cast %reduce_sum3A_336 : vector<100xf32> to vector<100x1xf32>
    %lt3A_338 = arith.constant 30583.9668 : f32
    %lt3A_339 = vector.broadcast %lt3A_338 : f32 to vector<100x512xf32>
    %lt3A_340 = arith.cmpf olt, %add3A_20, %lt3A_339 : vector<100x512xf32>
    %jit3A_341 = arith.constant 1.000000e+00 : f32
    %jit3A_342 = arith.constant 0.000000e+00 : f32
    %broadcast_in_dim3A_343 = vector.broadcast %jit3A_341 : f32 to vector<100x512xf32>
    %broadcast_in_dim3A_344 = vector.broadcast %jit3A_342 : f32 to vector<100x512xf32>
    %select_n3A_345 = arith.select %lt3A_340, %broadcast_in_dim3A_343, %broadcast_in_dim3A_344 : vector<100x512xi1>, vector<100x512xf32>
    %ge3A_346 = arith.constant 30583.9668 : f32
    %ge3A_347 = vector.broadcast %ge3A_346 : f32 to vector<100x512xf32>
    %ge3A_348 = arith.cmpf oge, %add3A_20, %ge3A_347 : vector<100x512xf32>
    %lt3A_349 = arith.constant 30583.9668 : f32
    %lt3A_350 = vector.broadcast %lt3A_349 : f32 to vector<100x512xf32>
    %lt3A_351 = arith.cmpf olt, %concatenate3A, %lt3A_350 : vector<100x512xf32>
    %and3A_352 = arith.andi %ge3A_348, %lt3A_351 : vector<100x512xi1>
    %jit3A_353 = arith.constant 1.000000e+00 : f32
    %jit3A_354 = arith.constant 0.000000e+00 : f32
    %broadcast_in_dim3A_355 = vector.broadcast %jit3A_353 : f32 to vector<100x512xf32>
    %broadcast_in_dim3A_356 = vector.broadcast %jit3A_354 : f32 to vector<100x512xf32>
    %select_n3A_357 = arith.select %and3A_352, %broadcast_in_dim3A_355, %broadcast_in_dim3A_356 : vector<100x512xi1>, vector<100x512xf32>
    %reduce_sum3A_358 = arith.constant dense<0.000000e+00> : vector<100xf32>
    %reduce_sum3A_359 = vector.multi_reduction <add>, %select_n3A_345, %reduce_sum3A_358 [1] : vector<100x512xf32> to vector<100xf32>
    %broadcast_in_dim3A_360 = vector.shape_cast %reduce_sum3A_359 : vector<100xf32> to vector<100x1xf32>
    %jit3A_361 = arith.constant -1.000000e+00 : f32
    %broadcast_in_dim3A_362 = vector.broadcast %jit3A_361 : f32 to vector<100x512xf32>
    %select_n3A_363 = arith.select %lt3A_340, %add3A_20, %broadcast_in_dim3A_362 : vector<100x512xi1>, vector<100x512xf32>
    %reduce_max3A_364 = arith.constant dense<0xFF800000> : vector<100xf32>
    %reduce_max3A_365 = vector.multi_reduction <maximumf>, %select_n3A_363, %reduce_max3A_364 [1] : vector<100x512xf32> to vector<100xf32>
    %broadcast_in_dim3A_366 = vector.shape_cast %reduce_max3A_365 : vector<100xf32> to vector<100x1xf32>
    %mul3A_367 = arith.mulf %get3A_5, %select_n3A_345 : vector<100x512xf32>
    %reduce_sum3A_368 = arith.constant dense<0.000000e+00> : vector<100xf32>
    %reduce_sum3A_369 = vector.multi_reduction <add>, %mul3A_367, %reduce_sum3A_368 [1] : vector<100x512xf32> to vector<100xf32>
    %broadcast_in_dim3A_370 = vector.shape_cast %reduce_sum3A_369 : vector<100xf32> to vector<100x1xf32>
    %mul3A_371 = arith.mulf %get3A_5, %select_n3A_357 : vector<100x512xf32>
    %reduce_sum3A_372 = arith.constant dense<0.000000e+00> : vector<100xf32>
    %reduce_sum3A_373 = vector.multi_reduction <add>, %mul3A_371, %reduce_sum3A_372 [1] : vector<100x512xf32> to vector<100xf32>
    %broadcast_in_dim3A_374 = vector.shape_cast %reduce_sum3A_373 : vector<100xf32> to vector<100x1xf32>
    %mul3A_375 = arith.mulf %get3A_10, %select_n3A_345 : vector<100x512xf32>
    %reduce_sum3A_376 = arith.constant dense<0.000000e+00> : vector<100xf32>
    %reduce_sum3A_377 = vector.multi_reduction <add>, %mul3A_375, %reduce_sum3A_376 [1] : vector<100x512xf32> to vector<100xf32>
    %broadcast_in_dim3A_378 = vector.shape_cast %reduce_sum3A_377 : vector<100xf32> to vector<100x1xf32>
    %mul3A_379 = arith.mulf %get3A_10, %select_n3A_357 : vector<100x512xf32>
    %reduce_sum3A_380 = arith.constant dense<0.000000e+00> : vector<100xf32>
    %reduce_sum3A_381 = vector.multi_reduction <add>, %mul3A_379, %reduce_sum3A_380 [1] : vector<100x512xf32> to vector<100xf32>
    %broadcast_in_dim3A_382 = vector.shape_cast %reduce_sum3A_381 : vector<100xf32> to vector<100x1xf32>
    %mul3A_383 = arith.mulf %div3A, %select_n3A_345 : vector<100x512xf32>
    %reduce_sum3A_384 = arith.constant dense<0.000000e+00> : vector<100xf32>
    %reduce_sum3A_385 = vector.multi_reduction <add>, %mul3A_383, %reduce_sum3A_384 [1] : vector<100x512xf32> to vector<100xf32>
    %broadcast_in_dim3A_386 = vector.shape_cast %reduce_sum3A_385 : vector<100xf32> to vector<100x1xf32>
    %mul3A_387 = arith.mulf %div3A, %select_n3A_357 : vector<100x512xf32>
    %reduce_sum3A_388 = arith.constant dense<0.000000e+00> : vector<100xf32>
    %reduce_sum3A_389 = vector.multi_reduction <add>, %mul3A_387, %reduce_sum3A_388 [1] : vector<100x512xf32> to vector<100xf32>
    %broadcast_in_dim3A_390 = vector.shape_cast %reduce_sum3A_389 : vector<100xf32> to vector<100x1xf32>
    %lt3A_391 = arith.constant 34953.0352 : f32
    %lt3A_392 = vector.broadcast %lt3A_391 : f32 to vector<100x512xf32>
    %lt3A_393 = arith.cmpf olt, %add3A_20, %lt3A_392 : vector<100x512xf32>
    %jit3A_394 = arith.constant 1.000000e+00 : f32
    %jit3A_395 = arith.constant 0.000000e+00 : f32
    %broadcast_in_dim3A_396 = vector.broadcast %jit3A_394 : f32 to vector<100x512xf32>
    %broadcast_in_dim3A_397 = vector.broadcast %jit3A_395 : f32 to vector<100x512xf32>
    %select_n3A_398 = arith.select %lt3A_393, %broadcast_in_dim3A_396, %broadcast_in_dim3A_397 : vector<100x512xi1>, vector<100x512xf32>
    %ge3A_399 = arith.constant 34953.0352 : f32
    %ge3A_400 = vector.broadcast %ge3A_399 : f32 to vector<100x512xf32>
    %ge3A_401 = arith.cmpf oge, %add3A_20, %ge3A_400 : vector<100x512xf32>
    %lt3A_402 = arith.constant 34953.0352 : f32
    %lt3A_403 = vector.broadcast %lt3A_402 : f32 to vector<100x512xf32>
    %lt3A_404 = arith.cmpf olt, %concatenate3A, %lt3A_403 : vector<100x512xf32>
    %and3A_405 = arith.andi %ge3A_401, %lt3A_404 : vector<100x512xi1>
    %jit3A_406 = arith.constant 1.000000e+00 : f32
    %jit3A_407 = arith.constant 0.000000e+00 : f32
    %broadcast_in_dim3A_408 = vector.broadcast %jit3A_406 : f32 to vector<100x512xf32>
    %broadcast_in_dim3A_409 = vector.broadcast %jit3A_407 : f32 to vector<100x512xf32>
    %select_n3A_410 = arith.select %and3A_405, %broadcast_in_dim3A_408, %broadcast_in_dim3A_409 : vector<100x512xi1>, vector<100x512xf32>
    %reduce_sum3A_411 = arith.constant dense<0.000000e+00> : vector<100xf32>
    %reduce_sum3A_412 = vector.multi_reduction <add>, %select_n3A_398, %reduce_sum3A_411 [1] : vector<100x512xf32> to vector<100xf32>
    %broadcast_in_dim3A_413 = vector.shape_cast %reduce_sum3A_412 : vector<100xf32> to vector<100x1xf32>
    %jit3A_414 = arith.constant -1.000000e+00 : f32
    %broadcast_in_dim3A_415 = vector.broadcast %jit3A_414 : f32 to vector<100x512xf32>
    %select_n3A_416 = arith.select %lt3A_393, %add3A_20, %broadcast_in_dim3A_415 : vector<100x512xi1>, vector<100x512xf32>
    %reduce_max3A_417 = arith.constant dense<0xFF800000> : vector<100xf32>
    %reduce_max3A_418 = vector.multi_reduction <maximumf>, %select_n3A_416, %reduce_max3A_417 [1] : vector<100x512xf32> to vector<100xf32>
    %broadcast_in_dim3A_419 = vector.shape_cast %reduce_max3A_418 : vector<100xf32> to vector<100x1xf32>
    %mul3A_420 = arith.mulf %get3A_5, %select_n3A_398 : vector<100x512xf32>
    %reduce_sum3A_421 = arith.constant dense<0.000000e+00> : vector<100xf32>
    %reduce_sum3A_422 = vector.multi_reduction <add>, %mul3A_420, %reduce_sum3A_421 [1] : vector<100x512xf32> to vector<100xf32>
    %broadcast_in_dim3A_423 = vector.shape_cast %reduce_sum3A_422 : vector<100xf32> to vector<100x1xf32>
    %mul3A_424 = arith.mulf %get3A_5, %select_n3A_410 : vector<100x512xf32>
    %reduce_sum3A_425 = arith.constant dense<0.000000e+00> : vector<100xf32>
    %reduce_sum3A_426 = vector.multi_reduction <add>, %mul3A_424, %reduce_sum3A_425 [1] : vector<100x512xf32> to vector<100xf32>
    %broadcast_in_dim3A_427 = vector.shape_cast %reduce_sum3A_426 : vector<100xf32> to vector<100x1xf32>
    %mul3A_428 = arith.mulf %get3A_10, %select_n3A_398 : vector<100x512xf32>
    %reduce_sum3A_429 = arith.constant dense<0.000000e+00> : vector<100xf32>
    %reduce_sum3A_430 = vector.multi_reduction <add>, %mul3A_428, %reduce_sum3A_429 [1] : vector<100x512xf32> to vector<100xf32>
    %broadcast_in_dim3A_431 = vector.shape_cast %reduce_sum3A_430 : vector<100xf32> to vector<100x1xf32>
    %mul3A_432 = arith.mulf %get3A_10, %select_n3A_410 : vector<100x512xf32>
    %reduce_sum3A_433 = arith.constant dense<0.000000e+00> : vector<100xf32>
    %reduce_sum3A_434 = vector.multi_reduction <add>, %mul3A_432, %reduce_sum3A_433 [1] : vector<100x512xf32> to vector<100xf32>
    %broadcast_in_dim3A_435 = vector.shape_cast %reduce_sum3A_434 : vector<100xf32> to vector<100x1xf32>
    %mul3A_436 = arith.mulf %div3A, %select_n3A_398 : vector<100x512xf32>
    %reduce_sum3A_437 = arith.constant dense<0.000000e+00> : vector<100xf32>
    %reduce_sum3A_438 = vector.multi_reduction <add>, %mul3A_436, %reduce_sum3A_437 [1] : vector<100x512xf32> to vector<100xf32>
    %broadcast_in_dim3A_439 = vector.shape_cast %reduce_sum3A_438 : vector<100xf32> to vector<100x1xf32>
    %mul3A_440 = arith.mulf %div3A, %select_n3A_410 : vector<100x512xf32>
    %reduce_sum3A_441 = arith.constant dense<0.000000e+00> : vector<100xf32>
    %reduce_sum3A_442 = vector.multi_reduction <add>, %mul3A_440, %reduce_sum3A_441 [1] : vector<100x512xf32> to vector<100xf32>
    %broadcast_in_dim3A_443 = vector.shape_cast %reduce_sum3A_442 : vector<100xf32> to vector<100x1xf32>
    %lt3A_444 = arith.constant 3.932210e+04 : f32
    %lt3A_445 = vector.broadcast %lt3A_444 : f32 to vector<100x512xf32>
    %lt3A_446 = arith.cmpf olt, %add3A_20, %lt3A_445 : vector<100x512xf32>
    %jit3A_447 = arith.constant 1.000000e+00 : f32
    %jit3A_448 = arith.constant 0.000000e+00 : f32
    %broadcast_in_dim3A_449 = vector.broadcast %jit3A_447 : f32 to vector<100x512xf32>
    %broadcast_in_dim3A_450 = vector.broadcast %jit3A_448 : f32 to vector<100x512xf32>
    %select_n3A_451 = arith.select %lt3A_446, %broadcast_in_dim3A_449, %broadcast_in_dim3A_450 : vector<100x512xi1>, vector<100x512xf32>
    %ge3A_452 = arith.constant 3.932210e+04 : f32
    %ge3A_453 = vector.broadcast %ge3A_452 : f32 to vector<100x512xf32>
    %ge3A_454 = arith.cmpf oge, %add3A_20, %ge3A_453 : vector<100x512xf32>
    %lt3A_455 = arith.constant 3.932210e+04 : f32
    %lt3A_456 = vector.broadcast %lt3A_455 : f32 to vector<100x512xf32>
    %lt3A_457 = arith.cmpf olt, %concatenate3A, %lt3A_456 : vector<100x512xf32>
    %and3A_458 = arith.andi %ge3A_454, %lt3A_457 : vector<100x512xi1>
    %jit3A_459 = arith.constant 1.000000e+00 : f32
    %jit3A_460 = arith.constant 0.000000e+00 : f32
    %broadcast_in_dim3A_461 = vector.broadcast %jit3A_459 : f32 to vector<100x512xf32>
    %broadcast_in_dim3A_462 = vector.broadcast %jit3A_460 : f32 to vector<100x512xf32>
    %select_n3A_463 = arith.select %and3A_458, %broadcast_in_dim3A_461, %broadcast_in_dim3A_462 : vector<100x512xi1>, vector<100x512xf32>
    %reduce_sum3A_464 = arith.constant dense<0.000000e+00> : vector<100xf32>
    %reduce_sum3A_465 = vector.multi_reduction <add>, %select_n3A_451, %reduce_sum3A_464 [1] : vector<100x512xf32> to vector<100xf32>
    %broadcast_in_dim3A_466 = vector.shape_cast %reduce_sum3A_465 : vector<100xf32> to vector<100x1xf32>
    %jit3A_467 = arith.constant -1.000000e+00 : f32
    %broadcast_in_dim3A_468 = vector.broadcast %jit3A_467 : f32 to vector<100x512xf32>
    %select_n3A_469 = arith.select %lt3A_446, %add3A_20, %broadcast_in_dim3A_468 : vector<100x512xi1>, vector<100x512xf32>
    %reduce_max3A_470 = arith.constant dense<0xFF800000> : vector<100xf32>
    %reduce_max3A_471 = vector.multi_reduction <maximumf>, %select_n3A_469, %reduce_max3A_470 [1] : vector<100x512xf32> to vector<100xf32>
    %broadcast_in_dim3A_472 = vector.shape_cast %reduce_max3A_471 : vector<100xf32> to vector<100x1xf32>
    %mul3A_473 = arith.mulf %get3A_5, %select_n3A_451 : vector<100x512xf32>
    %reduce_sum3A_474 = arith.constant dense<0.000000e+00> : vector<100xf32>
    %reduce_sum3A_475 = vector.multi_reduction <add>, %mul3A_473, %reduce_sum3A_474 [1] : vector<100x512xf32> to vector<100xf32>
    %broadcast_in_dim3A_476 = vector.shape_cast %reduce_sum3A_475 : vector<100xf32> to vector<100x1xf32>
    %mul3A_477 = arith.mulf %get3A_5, %select_n3A_463 : vector<100x512xf32>
    %reduce_sum3A_478 = arith.constant dense<0.000000e+00> : vector<100xf32>
    %reduce_sum3A_479 = vector.multi_reduction <add>, %mul3A_477, %reduce_sum3A_478 [1] : vector<100x512xf32> to vector<100xf32>
    %broadcast_in_dim3A_480 = vector.shape_cast %reduce_sum3A_479 : vector<100xf32> to vector<100x1xf32>
    %mul3A_481 = arith.mulf %get3A_10, %select_n3A_451 : vector<100x512xf32>
    %reduce_sum3A_482 = arith.constant dense<0.000000e+00> : vector<100xf32>
    %reduce_sum3A_483 = vector.multi_reduction <add>, %mul3A_481, %reduce_sum3A_482 [1] : vector<100x512xf32> to vector<100xf32>
    %broadcast_in_dim3A_484 = vector.shape_cast %reduce_sum3A_483 : vector<100xf32> to vector<100x1xf32>
    %mul3A_485 = arith.mulf %get3A_10, %select_n3A_463 : vector<100x512xf32>
    %reduce_sum3A_486 = arith.constant dense<0.000000e+00> : vector<100xf32>
    %reduce_sum3A_487 = vector.multi_reduction <add>, %mul3A_485, %reduce_sum3A_486 [1] : vector<100x512xf32> to vector<100xf32>
    %broadcast_in_dim3A_488 = vector.shape_cast %reduce_sum3A_487 : vector<100xf32> to vector<100x1xf32>
    %mul3A_489 = arith.mulf %div3A, %select_n3A_451 : vector<100x512xf32>
    %reduce_sum3A_490 = arith.constant dense<0.000000e+00> : vector<100xf32>
    %reduce_sum3A_491 = vector.multi_reduction <add>, %mul3A_489, %reduce_sum3A_490 [1] : vector<100x512xf32> to vector<100xf32>
    %broadcast_in_dim3A_492 = vector.shape_cast %reduce_sum3A_491 : vector<100xf32> to vector<100x1xf32>
    %mul3A_493 = arith.mulf %div3A, %select_n3A_463 : vector<100x512xf32>
    %reduce_sum3A_494 = arith.constant dense<0.000000e+00> : vector<100xf32>
    %reduce_sum3A_495 = vector.multi_reduction <add>, %mul3A_493, %reduce_sum3A_494 [1] : vector<100x512xf32> to vector<100xf32>
    %broadcast_in_dim3A_496 = vector.shape_cast %reduce_sum3A_495 : vector<100xf32> to vector<100x1xf32>
    %lt3A_497 = arith.constant 43691.168 : f32
    %lt3A_498 = vector.broadcast %lt3A_497 : f32 to vector<100x512xf32>
    %lt3A_499 = arith.cmpf olt, %add3A_20, %lt3A_498 : vector<100x512xf32>
    %jit3A_500 = arith.constant 1.000000e+00 : f32
    %jit3A_501 = arith.constant 0.000000e+00 : f32
    %broadcast_in_dim3A_502 = vector.broadcast %jit3A_500 : f32 to vector<100x512xf32>
    %broadcast_in_dim3A_503 = vector.broadcast %jit3A_501 : f32 to vector<100x512xf32>
    %select_n3A_504 = arith.select %lt3A_499, %broadcast_in_dim3A_502, %broadcast_in_dim3A_503 : vector<100x512xi1>, vector<100x512xf32>
    %ge3A_505 = arith.constant 43691.168 : f32
    %ge3A_506 = vector.broadcast %ge3A_505 : f32 to vector<100x512xf32>
    %ge3A_507 = arith.cmpf oge, %add3A_20, %ge3A_506 : vector<100x512xf32>
    %lt3A_508 = arith.constant 43691.168 : f32
    %lt3A_509 = vector.broadcast %lt3A_508 : f32 to vector<100x512xf32>
    %lt3A_510 = arith.cmpf olt, %concatenate3A, %lt3A_509 : vector<100x512xf32>
    %and3A_511 = arith.andi %ge3A_507, %lt3A_510 : vector<100x512xi1>
    %jit3A_512 = arith.constant 1.000000e+00 : f32
    %jit3A_513 = arith.constant 0.000000e+00 : f32
    %broadcast_in_dim3A_514 = vector.broadcast %jit3A_512 : f32 to vector<100x512xf32>
    %broadcast_in_dim3A_515 = vector.broadcast %jit3A_513 : f32 to vector<100x512xf32>
    %select_n3A_516 = arith.select %and3A_511, %broadcast_in_dim3A_514, %broadcast_in_dim3A_515 : vector<100x512xi1>, vector<100x512xf32>
    %reduce_sum3A_517 = arith.constant dense<0.000000e+00> : vector<100xf32>
    %reduce_sum3A_518 = vector.multi_reduction <add>, %select_n3A_504, %reduce_sum3A_517 [1] : vector<100x512xf32> to vector<100xf32>
    %broadcast_in_dim3A_519 = vector.shape_cast %reduce_sum3A_518 : vector<100xf32> to vector<100x1xf32>
    %jit3A_520 = arith.constant -1.000000e+00 : f32
    %broadcast_in_dim3A_521 = vector.broadcast %jit3A_520 : f32 to vector<100x512xf32>
    %select_n3A_522 = arith.select %lt3A_499, %add3A_20, %broadcast_in_dim3A_521 : vector<100x512xi1>, vector<100x512xf32>
    %reduce_max3A_523 = arith.constant dense<0xFF800000> : vector<100xf32>
    %reduce_max3A_524 = vector.multi_reduction <maximumf>, %select_n3A_522, %reduce_max3A_523 [1] : vector<100x512xf32> to vector<100xf32>
    %broadcast_in_dim3A_525 = vector.shape_cast %reduce_max3A_524 : vector<100xf32> to vector<100x1xf32>
    %mul3A_526 = arith.mulf %get3A_5, %select_n3A_504 : vector<100x512xf32>
    %reduce_sum3A_527 = arith.constant dense<0.000000e+00> : vector<100xf32>
    %reduce_sum3A_528 = vector.multi_reduction <add>, %mul3A_526, %reduce_sum3A_527 [1] : vector<100x512xf32> to vector<100xf32>
    %broadcast_in_dim3A_529 = vector.shape_cast %reduce_sum3A_528 : vector<100xf32> to vector<100x1xf32>
    %mul3A_530 = arith.mulf %get3A_5, %select_n3A_516 : vector<100x512xf32>
    %reduce_sum3A_531 = arith.constant dense<0.000000e+00> : vector<100xf32>
    %reduce_sum3A_532 = vector.multi_reduction <add>, %mul3A_530, %reduce_sum3A_531 [1] : vector<100x512xf32> to vector<100xf32>
    %broadcast_in_dim3A_533 = vector.shape_cast %reduce_sum3A_532 : vector<100xf32> to vector<100x1xf32>
    %mul3A_534 = arith.mulf %get3A_10, %select_n3A_504 : vector<100x512xf32>
    %reduce_sum3A_535 = arith.constant dense<0.000000e+00> : vector<100xf32>
    %reduce_sum3A_536 = vector.multi_reduction <add>, %mul3A_534, %reduce_sum3A_535 [1] : vector<100x512xf32> to vector<100xf32>
    %broadcast_in_dim3A_537 = vector.shape_cast %reduce_sum3A_536 : vector<100xf32> to vector<100x1xf32>
    %mul3A_538 = arith.mulf %get3A_10, %select_n3A_516 : vector<100x512xf32>
    %reduce_sum3A_539 = arith.constant dense<0.000000e+00> : vector<100xf32>
    %reduce_sum3A_540 = vector.multi_reduction <add>, %mul3A_538, %reduce_sum3A_539 [1] : vector<100x512xf32> to vector<100xf32>
    %broadcast_in_dim3A_541 = vector.shape_cast %reduce_sum3A_540 : vector<100xf32> to vector<100x1xf32>
    %mul3A_542 = arith.mulf %div3A, %select_n3A_504 : vector<100x512xf32>
    %reduce_sum3A_543 = arith.constant dense<0.000000e+00> : vector<100xf32>
    %reduce_sum3A_544 = vector.multi_reduction <add>, %mul3A_542, %reduce_sum3A_543 [1] : vector<100x512xf32> to vector<100xf32>
    %broadcast_in_dim3A_545 = vector.shape_cast %reduce_sum3A_544 : vector<100xf32> to vector<100x1xf32>
    %mul3A_546 = arith.mulf %div3A, %select_n3A_516 : vector<100x512xf32>
    %reduce_sum3A_547 = arith.constant dense<0.000000e+00> : vector<100xf32>
    %reduce_sum3A_548 = vector.multi_reduction <add>, %mul3A_546, %reduce_sum3A_547 [1] : vector<100x512xf32> to vector<100xf32>
    %broadcast_in_dim3A_549 = vector.shape_cast %reduce_sum3A_548 : vector<100xf32> to vector<100x1xf32>
    %lt3A_550 = arith.constant 48060.2344 : f32
    %lt3A_551 = vector.broadcast %lt3A_550 : f32 to vector<100x512xf32>
    %lt3A_552 = arith.cmpf olt, %add3A_20, %lt3A_551 : vector<100x512xf32>
    %jit3A_553 = arith.constant 1.000000e+00 : f32
    %jit3A_554 = arith.constant 0.000000e+00 : f32
    %broadcast_in_dim3A_555 = vector.broadcast %jit3A_553 : f32 to vector<100x512xf32>
    %broadcast_in_dim3A_556 = vector.broadcast %jit3A_554 : f32 to vector<100x512xf32>
    %select_n3A_557 = arith.select %lt3A_552, %broadcast_in_dim3A_555, %broadcast_in_dim3A_556 : vector<100x512xi1>, vector<100x512xf32>
    %ge3A_558 = arith.constant 48060.2344 : f32
    %ge3A_559 = vector.broadcast %ge3A_558 : f32 to vector<100x512xf32>
    %ge3A_560 = arith.cmpf oge, %add3A_20, %ge3A_559 : vector<100x512xf32>
    %lt3A_561 = arith.constant 48060.2344 : f32
    %lt3A_562 = vector.broadcast %lt3A_561 : f32 to vector<100x512xf32>
    %lt3A_563 = arith.cmpf olt, %concatenate3A, %lt3A_562 : vector<100x512xf32>
    %and3A_564 = arith.andi %ge3A_560, %lt3A_563 : vector<100x512xi1>
    %jit3A_565 = arith.constant 1.000000e+00 : f32
    %jit3A_566 = arith.constant 0.000000e+00 : f32
    %broadcast_in_dim3A_567 = vector.broadcast %jit3A_565 : f32 to vector<100x512xf32>
    %broadcast_in_dim3A_568 = vector.broadcast %jit3A_566 : f32 to vector<100x512xf32>
    %select_n3A_569 = arith.select %and3A_564, %broadcast_in_dim3A_567, %broadcast_in_dim3A_568 : vector<100x512xi1>, vector<100x512xf32>
    %reduce_sum3A_570 = arith.constant dense<0.000000e+00> : vector<100xf32>
    %reduce_sum3A_571 = vector.multi_reduction <add>, %select_n3A_557, %reduce_sum3A_570 [1] : vector<100x512xf32> to vector<100xf32>
    %broadcast_in_dim3A_572 = vector.shape_cast %reduce_sum3A_571 : vector<100xf32> to vector<100x1xf32>
    %jit3A_573 = arith.constant -1.000000e+00 : f32
    %broadcast_in_dim3A_574 = vector.broadcast %jit3A_573 : f32 to vector<100x512xf32>
    %select_n3A_575 = arith.select %lt3A_552, %add3A_20, %broadcast_in_dim3A_574 : vector<100x512xi1>, vector<100x512xf32>
    %reduce_max3A_576 = arith.constant dense<0xFF800000> : vector<100xf32>
    %reduce_max3A_577 = vector.multi_reduction <maximumf>, %select_n3A_575, %reduce_max3A_576 [1] : vector<100x512xf32> to vector<100xf32>
    %broadcast_in_dim3A_578 = vector.shape_cast %reduce_max3A_577 : vector<100xf32> to vector<100x1xf32>
    %mul3A_579 = arith.mulf %get3A_5, %select_n3A_557 : vector<100x512xf32>
    %reduce_sum3A_580 = arith.constant dense<0.000000e+00> : vector<100xf32>
    %reduce_sum3A_581 = vector.multi_reduction <add>, %mul3A_579, %reduce_sum3A_580 [1] : vector<100x512xf32> to vector<100xf32>
    %broadcast_in_dim3A_582 = vector.shape_cast %reduce_sum3A_581 : vector<100xf32> to vector<100x1xf32>
    %mul3A_583 = arith.mulf %get3A_5, %select_n3A_569 : vector<100x512xf32>
    %reduce_sum3A_584 = arith.constant dense<0.000000e+00> : vector<100xf32>
    %reduce_sum3A_585 = vector.multi_reduction <add>, %mul3A_583, %reduce_sum3A_584 [1] : vector<100x512xf32> to vector<100xf32>
    %broadcast_in_dim3A_586 = vector.shape_cast %reduce_sum3A_585 : vector<100xf32> to vector<100x1xf32>
    %mul3A_587 = arith.mulf %get3A_10, %select_n3A_557 : vector<100x512xf32>
    %reduce_sum3A_588 = arith.constant dense<0.000000e+00> : vector<100xf32>
    %reduce_sum3A_589 = vector.multi_reduction <add>, %mul3A_587, %reduce_sum3A_588 [1] : vector<100x512xf32> to vector<100xf32>
    %broadcast_in_dim3A_590 = vector.shape_cast %reduce_sum3A_589 : vector<100xf32> to vector<100x1xf32>
    %mul3A_591 = arith.mulf %get3A_10, %select_n3A_569 : vector<100x512xf32>
    %reduce_sum3A_592 = arith.constant dense<0.000000e+00> : vector<100xf32>
    %reduce_sum3A_593 = vector.multi_reduction <add>, %mul3A_591, %reduce_sum3A_592 [1] : vector<100x512xf32> to vector<100xf32>
    %broadcast_in_dim3A_594 = vector.shape_cast %reduce_sum3A_593 : vector<100xf32> to vector<100x1xf32>
    %mul3A_595 = arith.mulf %div3A, %select_n3A_557 : vector<100x512xf32>
    %reduce_sum3A_596 = arith.constant dense<0.000000e+00> : vector<100xf32>
    %reduce_sum3A_597 = vector.multi_reduction <add>, %mul3A_595, %reduce_sum3A_596 [1] : vector<100x512xf32> to vector<100xf32>
    %broadcast_in_dim3A_598 = vector.shape_cast %reduce_sum3A_597 : vector<100xf32> to vector<100x1xf32>
    %mul3A_599 = arith.mulf %div3A, %select_n3A_569 : vector<100x512xf32>
    %reduce_sum3A_600 = arith.constant dense<0.000000e+00> : vector<100xf32>
    %reduce_sum3A_601 = vector.multi_reduction <add>, %mul3A_599, %reduce_sum3A_600 [1] : vector<100x512xf32> to vector<100xf32>
    %broadcast_in_dim3A_602 = vector.shape_cast %reduce_sum3A_601 : vector<100xf32> to vector<100x1xf32>
    %lt3A_603 = arith.constant 5.242930e+04 : f32
    %lt3A_604 = vector.broadcast %lt3A_603 : f32 to vector<100x512xf32>
    %lt3A_605 = arith.cmpf olt, %add3A_20, %lt3A_604 : vector<100x512xf32>
    %jit3A_606 = arith.constant 1.000000e+00 : f32
    %jit3A_607 = arith.constant 0.000000e+00 : f32
    %broadcast_in_dim3A_608 = vector.broadcast %jit3A_606 : f32 to vector<100x512xf32>
    %broadcast_in_dim3A_609 = vector.broadcast %jit3A_607 : f32 to vector<100x512xf32>
    %select_n3A_610 = arith.select %lt3A_605, %broadcast_in_dim3A_608, %broadcast_in_dim3A_609 : vector<100x512xi1>, vector<100x512xf32>
    %ge3A_611 = arith.constant 5.242930e+04 : f32
    %ge3A_612 = vector.broadcast %ge3A_611 : f32 to vector<100x512xf32>
    %ge3A_613 = arith.cmpf oge, %add3A_20, %ge3A_612 : vector<100x512xf32>
    %lt3A_614 = arith.constant 5.242930e+04 : f32
    %lt3A_615 = vector.broadcast %lt3A_614 : f32 to vector<100x512xf32>
    %lt3A_616 = arith.cmpf olt, %concatenate3A, %lt3A_615 : vector<100x512xf32>
    %and3A_617 = arith.andi %ge3A_613, %lt3A_616 : vector<100x512xi1>
    %jit3A_618 = arith.constant 1.000000e+00 : f32
    %jit3A_619 = arith.constant 0.000000e+00 : f32
    %broadcast_in_dim3A_620 = vector.broadcast %jit3A_618 : f32 to vector<100x512xf32>
    %broadcast_in_dim3A_621 = vector.broadcast %jit3A_619 : f32 to vector<100x512xf32>
    %select_n3A_622 = arith.select %and3A_617, %broadcast_in_dim3A_620, %broadcast_in_dim3A_621 : vector<100x512xi1>, vector<100x512xf32>
    %reduce_sum3A_623 = arith.constant dense<0.000000e+00> : vector<100xf32>
    %reduce_sum3A_624 = vector.multi_reduction <add>, %select_n3A_610, %reduce_sum3A_623 [1] : vector<100x512xf32> to vector<100xf32>
    %broadcast_in_dim3A_625 = vector.shape_cast %reduce_sum3A_624 : vector<100xf32> to vector<100x1xf32>
    %jit3A_626 = arith.constant -1.000000e+00 : f32
    %broadcast_in_dim3A_627 = vector.broadcast %jit3A_626 : f32 to vector<100x512xf32>
    %select_n3A_628 = arith.select %lt3A_605, %add3A_20, %broadcast_in_dim3A_627 : vector<100x512xi1>, vector<100x512xf32>
    %reduce_max3A_629 = arith.constant dense<0xFF800000> : vector<100xf32>
    %reduce_max3A_630 = vector.multi_reduction <maximumf>, %select_n3A_628, %reduce_max3A_629 [1] : vector<100x512xf32> to vector<100xf32>
    %broadcast_in_dim3A_631 = vector.shape_cast %reduce_max3A_630 : vector<100xf32> to vector<100x1xf32>
    %mul3A_632 = arith.mulf %get3A_5, %select_n3A_610 : vector<100x512xf32>
    %reduce_sum3A_633 = arith.constant dense<0.000000e+00> : vector<100xf32>
    %reduce_sum3A_634 = vector.multi_reduction <add>, %mul3A_632, %reduce_sum3A_633 [1] : vector<100x512xf32> to vector<100xf32>
    %broadcast_in_dim3A_635 = vector.shape_cast %reduce_sum3A_634 : vector<100xf32> to vector<100x1xf32>
    %mul3A_636 = arith.mulf %get3A_5, %select_n3A_622 : vector<100x512xf32>
    %reduce_sum3A_637 = arith.constant dense<0.000000e+00> : vector<100xf32>
    %reduce_sum3A_638 = vector.multi_reduction <add>, %mul3A_636, %reduce_sum3A_637 [1] : vector<100x512xf32> to vector<100xf32>
    %broadcast_in_dim3A_639 = vector.shape_cast %reduce_sum3A_638 : vector<100xf32> to vector<100x1xf32>
    %mul3A_640 = arith.mulf %get3A_10, %select_n3A_610 : vector<100x512xf32>
    %reduce_sum3A_641 = arith.constant dense<0.000000e+00> : vector<100xf32>
    %reduce_sum3A_642 = vector.multi_reduction <add>, %mul3A_640, %reduce_sum3A_641 [1] : vector<100x512xf32> to vector<100xf32>
    %broadcast_in_dim3A_643 = vector.shape_cast %reduce_sum3A_642 : vector<100xf32> to vector<100x1xf32>
    %mul3A_644 = arith.mulf %get3A_10, %select_n3A_622 : vector<100x512xf32>
    %reduce_sum3A_645 = arith.constant dense<0.000000e+00> : vector<100xf32>
    %reduce_sum3A_646 = vector.multi_reduction <add>, %mul3A_644, %reduce_sum3A_645 [1] : vector<100x512xf32> to vector<100xf32>
    %broadcast_in_dim3A_647 = vector.shape_cast %reduce_sum3A_646 : vector<100xf32> to vector<100x1xf32>
    %mul3A_648 = arith.mulf %div3A, %select_n3A_610 : vector<100x512xf32>
    %reduce_sum3A_649 = arith.constant dense<0.000000e+00> : vector<100xf32>
    %reduce_sum3A_650 = vector.multi_reduction <add>, %mul3A_648, %reduce_sum3A_649 [1] : vector<100x512xf32> to vector<100xf32>
    %broadcast_in_dim3A_651 = vector.shape_cast %reduce_sum3A_650 : vector<100xf32> to vector<100x1xf32>
    %mul3A_652 = arith.mulf %div3A, %select_n3A_622 : vector<100x512xf32>
    %reduce_sum3A_653 = arith.constant dense<0.000000e+00> : vector<100xf32>
    %reduce_sum3A_654 = vector.multi_reduction <add>, %mul3A_652, %reduce_sum3A_653 [1] : vector<100x512xf32> to vector<100xf32>
    %broadcast_in_dim3A_655 = vector.shape_cast %reduce_sum3A_654 : vector<100xf32> to vector<100x1xf32>
    %lt3A_656 = arith.constant 56798.3671 : f32
    %lt3A_657 = vector.broadcast %lt3A_656 : f32 to vector<100x512xf32>
    %lt3A_658 = arith.cmpf olt, %add3A_20, %lt3A_657 : vector<100x512xf32>
    %jit3A_659 = arith.constant 1.000000e+00 : f32
    %jit3A_660 = arith.constant 0.000000e+00 : f32
    %broadcast_in_dim3A_661 = vector.broadcast %jit3A_659 : f32 to vector<100x512xf32>
    %broadcast_in_dim3A_662 = vector.broadcast %jit3A_660 : f32 to vector<100x512xf32>
    %select_n3A_663 = arith.select %lt3A_658, %broadcast_in_dim3A_661, %broadcast_in_dim3A_662 : vector<100x512xi1>, vector<100x512xf32>
    %ge3A_664 = arith.constant 56798.3671 : f32
    %ge3A_665 = vector.broadcast %ge3A_664 : f32 to vector<100x512xf32>
    %ge3A_666 = arith.cmpf oge, %add3A_20, %ge3A_665 : vector<100x512xf32>
    %lt3A_667 = arith.constant 56798.3671 : f32
    %lt3A_668 = vector.broadcast %lt3A_667 : f32 to vector<100x512xf32>
    %lt3A_669 = arith.cmpf olt, %concatenate3A, %lt3A_668 : vector<100x512xf32>
    %and3A_670 = arith.andi %ge3A_666, %lt3A_669 : vector<100x512xi1>
    %jit3A_671 = arith.constant 1.000000e+00 : f32
    %jit3A_672 = arith.constant 0.000000e+00 : f32
    %broadcast_in_dim3A_673 = vector.broadcast %jit3A_671 : f32 to vector<100x512xf32>
    %broadcast_in_dim3A_674 = vector.broadcast %jit3A_672 : f32 to vector<100x512xf32>
    %select_n3A_675 = arith.select %and3A_670, %broadcast_in_dim3A_673, %broadcast_in_dim3A_674 : vector<100x512xi1>, vector<100x512xf32>
    %reduce_sum3A_676 = arith.constant dense<0.000000e+00> : vector<100xf32>
    %reduce_sum3A_677 = vector.multi_reduction <add>, %select_n3A_663, %reduce_sum3A_676 [1] : vector<100x512xf32> to vector<100xf32>
    %broadcast_in_dim3A_678 = vector.shape_cast %reduce_sum3A_677 : vector<100xf32> to vector<100x1xf32>
    %jit3A_679 = arith.constant -1.000000e+00 : f32
    %broadcast_in_dim3A_680 = vector.broadcast %jit3A_679 : f32 to vector<100x512xf32>
    %select_n3A_681 = arith.select %lt3A_658, %add3A_20, %broadcast_in_dim3A_680 : vector<100x512xi1>, vector<100x512xf32>
    %reduce_max3A_682 = arith.constant dense<0xFF800000> : vector<100xf32>
    %reduce_max3A_683 = vector.multi_reduction <maximumf>, %select_n3A_681, %reduce_max3A_682 [1] : vector<100x512xf32> to vector<100xf32>
    %broadcast_in_dim3A_684 = vector.shape_cast %reduce_max3A_683 : vector<100xf32> to vector<100x1xf32>
    %mul3A_685 = arith.mulf %get3A_5, %select_n3A_663 : vector<100x512xf32>
    %reduce_sum3A_686 = arith.constant dense<0.000000e+00> : vector<100xf32>
    %reduce_sum3A_687 = vector.multi_reduction <add>, %mul3A_685, %reduce_sum3A_686 [1] : vector<100x512xf32> to vector<100xf32>
    %broadcast_in_dim3A_688 = vector.shape_cast %reduce_sum3A_687 : vector<100xf32> to vector<100x1xf32>
    %mul3A_689 = arith.mulf %get3A_5, %select_n3A_675 : vector<100x512xf32>
    %reduce_sum3A_690 = arith.constant dense<0.000000e+00> : vector<100xf32>
    %reduce_sum3A_691 = vector.multi_reduction <add>, %mul3A_689, %reduce_sum3A_690 [1] : vector<100x512xf32> to vector<100xf32>
    %broadcast_in_dim3A_692 = vector.shape_cast %reduce_sum3A_691 : vector<100xf32> to vector<100x1xf32>
    %mul3A_693 = arith.mulf %get3A_10, %select_n3A_663 : vector<100x512xf32>
    %reduce_sum3A_694 = arith.constant dense<0.000000e+00> : vector<100xf32>
    %reduce_sum3A_695 = vector.multi_reduction <add>, %mul3A_693, %reduce_sum3A_694 [1] : vector<100x512xf32> to vector<100xf32>
    %broadcast_in_dim3A_696 = vector.shape_cast %reduce_sum3A_695 : vector<100xf32> to vector<100x1xf32>
    %mul3A_697 = arith.mulf %get3A_10, %select_n3A_675 : vector<100x512xf32>
    %reduce_sum3A_698 = arith.constant dense<0.000000e+00> : vector<100xf32>
    %reduce_sum3A_699 = vector.multi_reduction <add>, %mul3A_697, %reduce_sum3A_698 [1] : vector<100x512xf32> to vector<100xf32>
    %broadcast_in_dim3A_700 = vector.shape_cast %reduce_sum3A_699 : vector<100xf32> to vector<100x1xf32>
    %mul3A_701 = arith.mulf %div3A, %select_n3A_663 : vector<100x512xf32>
    %reduce_sum3A_702 = arith.constant dense<0.000000e+00> : vector<100xf32>
    %reduce_sum3A_703 = vector.multi_reduction <add>, %mul3A_701, %reduce_sum3A_702 [1] : vector<100x512xf32> to vector<100xf32>
    %broadcast_in_dim3A_704 = vector.shape_cast %reduce_sum3A_703 : vector<100xf32> to vector<100x1xf32>
    %mul3A_705 = arith.mulf %div3A, %select_n3A_675 : vector<100x512xf32>
    %reduce_sum3A_706 = arith.constant dense<0.000000e+00> : vector<100xf32>
    %reduce_sum3A_707 = vector.multi_reduction <add>, %mul3A_705, %reduce_sum3A_706 [1] : vector<100x512xf32> to vector<100xf32>
    %broadcast_in_dim3A_708 = vector.shape_cast %reduce_sum3A_707 : vector<100xf32> to vector<100x1xf32>
    %lt3A_709 = arith.constant 61167.4336 : f32
    %lt3A_710 = vector.broadcast %lt3A_709 : f32 to vector<100x512xf32>
    %lt3A_711 = arith.cmpf olt, %add3A_20, %lt3A_710 : vector<100x512xf32>
    %jit3A_712 = arith.constant 1.000000e+00 : f32
    %jit3A_713 = arith.constant 0.000000e+00 : f32
    %broadcast_in_dim3A_714 = vector.broadcast %jit3A_712 : f32 to vector<100x512xf32>
    %broadcast_in_dim3A_715 = vector.broadcast %jit3A_713 : f32 to vector<100x512xf32>
    %select_n3A_716 = arith.select %lt3A_711, %broadcast_in_dim3A_714, %broadcast_in_dim3A_715 : vector<100x512xi1>, vector<100x512xf32>
    %ge3A_717 = arith.constant 61167.4336 : f32
    %ge3A_718 = vector.broadcast %ge3A_717 : f32 to vector<100x512xf32>
    %ge3A_719 = arith.cmpf oge, %add3A_20, %ge3A_718 : vector<100x512xf32>
    %lt3A_720 = arith.constant 61167.4336 : f32
    %lt3A_721 = vector.broadcast %lt3A_720 : f32 to vector<100x512xf32>
    %lt3A_722 = arith.cmpf olt, %concatenate3A, %lt3A_721 : vector<100x512xf32>
    %and3A_723 = arith.andi %ge3A_719, %lt3A_722 : vector<100x512xi1>
    %jit3A_724 = arith.constant 1.000000e+00 : f32
    %jit3A_725 = arith.constant 0.000000e+00 : f32
    %broadcast_in_dim3A_726 = vector.broadcast %jit3A_724 : f32 to vector<100x512xf32>
    %broadcast_in_dim3A_727 = vector.broadcast %jit3A_725 : f32 to vector<100x512xf32>
    %select_n3A_728 = arith.select %and3A_723, %broadcast_in_dim3A_726, %broadcast_in_dim3A_727 : vector<100x512xi1>, vector<100x512xf32>
    %reduce_sum3A_729 = arith.constant dense<0.000000e+00> : vector<100xf32>
    %reduce_sum3A_730 = vector.multi_reduction <add>, %select_n3A_716, %reduce_sum3A_729 [1] : vector<100x512xf32> to vector<100xf32>
    %broadcast_in_dim3A_731 = vector.shape_cast %reduce_sum3A_730 : vector<100xf32> to vector<100x1xf32>
    %jit3A_732 = arith.constant -1.000000e+00 : f32
    %broadcast_in_dim3A_733 = vector.broadcast %jit3A_732 : f32 to vector<100x512xf32>
    %select_n3A_734 = arith.select %lt3A_711, %add3A_20, %broadcast_in_dim3A_733 : vector<100x512xi1>, vector<100x512xf32>
    %reduce_max3A_735 = arith.constant dense<0xFF800000> : vector<100xf32>
    %reduce_max3A_736 = vector.multi_reduction <maximumf>, %select_n3A_734, %reduce_max3A_735 [1] : vector<100x512xf32> to vector<100xf32>
    %broadcast_in_dim3A_737 = vector.shape_cast %reduce_max3A_736 : vector<100xf32> to vector<100x1xf32>
    %mul3A_738 = arith.mulf %get3A_5, %select_n3A_716 : vector<100x512xf32>
    %reduce_sum3A_739 = arith.constant dense<0.000000e+00> : vector<100xf32>
    %reduce_sum3A_740 = vector.multi_reduction <add>, %mul3A_738, %reduce_sum3A_739 [1] : vector<100x512xf32> to vector<100xf32>
    %broadcast_in_dim3A_741 = vector.shape_cast %reduce_sum3A_740 : vector<100xf32> to vector<100x1xf32>
    %mul3A_742 = arith.mulf %get3A_5, %select_n3A_728 : vector<100x512xf32>
    %reduce_sum3A_743 = arith.constant dense<0.000000e+00> : vector<100xf32>
    %reduce_sum3A_744 = vector.multi_reduction <add>, %mul3A_742, %reduce_sum3A_743 [1] : vector<100x512xf32> to vector<100xf32>
    %broadcast_in_dim3A_745 = vector.shape_cast %reduce_sum3A_744 : vector<100xf32> to vector<100x1xf32>
    %mul3A_746 = arith.mulf %get3A_10, %select_n3A_716 : vector<100x512xf32>
    %reduce_sum3A_747 = arith.constant dense<0.000000e+00> : vector<100xf32>
    %reduce_sum3A_748 = vector.multi_reduction <add>, %mul3A_746, %reduce_sum3A_747 [1] : vector<100x512xf32> to vector<100xf32>
    %broadcast_in_dim3A_749 = vector.shape_cast %reduce_sum3A_748 : vector<100xf32> to vector<100x1xf32>
    %mul3A_750 = arith.mulf %get3A_10, %select_n3A_728 : vector<100x512xf32>
    %reduce_sum3A_751 = arith.constant dense<0.000000e+00> : vector<100xf32>
    %reduce_sum3A_752 = vector.multi_reduction <add>, %mul3A_750, %reduce_sum3A_751 [1] : vector<100x512xf32> to vector<100xf32>
    %broadcast_in_dim3A_753 = vector.shape_cast %reduce_sum3A_752 : vector<100xf32> to vector<100x1xf32>
    %mul3A_754 = arith.mulf %div3A, %select_n3A_716 : vector<100x512xf32>
    %reduce_sum3A_755 = arith.constant dense<0.000000e+00> : vector<100xf32>
    %reduce_sum3A_756 = vector.multi_reduction <add>, %mul3A_754, %reduce_sum3A_755 [1] : vector<100x512xf32> to vector<100xf32>
    %broadcast_in_dim3A_757 = vector.shape_cast %reduce_sum3A_756 : vector<100xf32> to vector<100x1xf32>
    %mul3A_758 = arith.mulf %div3A, %select_n3A_728 : vector<100x512xf32>
    %reduce_sum3A_759 = arith.constant dense<0.000000e+00> : vector<100xf32>
    %reduce_sum3A_760 = vector.multi_reduction <add>, %mul3A_758, %reduce_sum3A_759 [1] : vector<100x512xf32> to vector<100xf32>
    %broadcast_in_dim3A_761 = vector.shape_cast %reduce_sum3A_760 : vector<100xf32> to vector<100x1xf32>
    %reduce_sum3A_762 = arith.constant dense<0.000000e+00> : vector<100xf32>
    %reduce_sum3A_763 = vector.multi_reduction <add>, %get3A_5, %reduce_sum3A_762 [1] : vector<100x512xf32> to vector<100xf32>
    %broadcast_in_dim3A_764 = vector.shape_cast %reduce_sum3A_763 : vector<100xf32> to vector<100x1xf32>
    %reduce_sum3A_765 = arith.constant dense<0.000000e+00> : vector<100xf32>
    %reduce_sum3A_766 = vector.multi_reduction <add>, %get3A_10, %reduce_sum3A_765 [1] : vector<100x512xf32> to vector<100xf32>
    %broadcast_in_dim3A_767 = vector.shape_cast %reduce_sum3A_766 : vector<100xf32> to vector<100x1xf32>
    %reduce_sum3A_768 = arith.constant dense<0.000000e+00> : vector<100xf32>
    %reduce_sum3A_769 = vector.multi_reduction <add>, %div3A, %reduce_sum3A_768 [1] : vector<100x512xf32> to vector<100xf32>
    %broadcast_in_dim3A_770 = vector.shape_cast %reduce_sum3A_769 : vector<100xf32> to vector<100x1xf32>
    %get3A_771 = arith.constant 0 : index
    %get3A_772 = arith.constant 0 : index
    %get3A_773 = vector.load %arg10[%get3A_771, %get3A_772] : memref<100x16xf32, #tpu.memory_space<vmem>>, vector<100x16xf32>
    %concatenate3A_774 = tpu.concatenate %broadcast_in_dim3A_24, %broadcast_in_dim3A_43, %broadcast_in_dim3A_95, %broadcast_in_dim3A_148, %broadcast_in_dim3A_201, %broadcast_in_dim3A_254, %broadcast_in_dim3A_307, %broadcast_in_dim3A_360, %broadcast_in_dim3A_413, %broadcast_in_dim3A_466, %broadcast_in_dim3A_519, %broadcast_in_dim3A_572, %broadcast_in_dim3A_625, %broadcast_in_dim3A_678, %broadcast_in_dim3A_731, %broadcast_in_dim3A_24 in 1 : vector<100x1xf32>, vector<100x1xf32>, vector<100x1xf32>, vector<100x1xf32>, vector<100x1xf32>, vector<100x1xf32>, vector<100x1xf32>, vector<100x1xf32>, vector<100x1xf32>, vector<100x1xf32>, vector<100x1xf32>, vector<100x1xf32>, vector<100x1xf32>, vector<100x1xf32>, vector<100x1xf32>, vector<100x1xf32> -> vector<100x16xf32>
    %add3A_775 = arith.addf %get3A_773, %concatenate3A_774 : vector<100x16xf32>
    %swap3A_776 = arith.constant 0 : index
    %swap3A_777 = arith.constant 0 : index
    %swap3A_778 = vector.load %arg10[%swap3A_776, %swap3A_777] : memref<100x16xf32, #tpu.memory_space<vmem>>, vector<100x16xf32>
    tpu.vector_store %arg10[%swap3A_776, %swap3A_777], %add3A_775 {strides = array<i32>} : memref<100x16xf32, #tpu.memory_space<vmem>>, vector<100x16xf32>,
    %get3A_779 = arith.constant 0 : index
    %get3A_780 = arith.constant 0 : index
    %get3A_781 = vector.load %arg11[%get3A_779, %get3A_780] : memref<100x16xf32, #tpu.memory_space<vmem>>, vector<100x16xf32>
    %concatenate3A_782 = tpu.concatenate %broadcast_in_dim3A_26, %broadcast_in_dim3A_48, %broadcast_in_dim3A_101, %broadcast_in_dim3A_154, %broadcast_in_dim3A_207, %broadcast_in_dim3A_260, %broadcast_in_dim3A_313, %broadcast_in_dim3A_366, %broadcast_in_dim3A_419, %broadcast_in_dim3A_472, %broadcast_in_dim3A_525, %broadcast_in_dim3A_578, %broadcast_in_dim3A_631, %broadcast_in_dim3A_684, %broadcast_in_dim3A_737, %broadcast_in_dim3A_26 in 1 : vector<100x1xf32>, vector<100x1xf32>, vector<100x1xf32>, vector<100x1xf32>, vector<100x1xf32>, vector<100x1xf32>, vector<100x1xf32>, vector<100x1xf32>, vector<100x1xf32>, vector<100x1xf32>, vector<100x1xf32>, vector<100x1xf32>, vector<100x1xf32>, vector<100x1xf32>, vector<100x1xf32>, vector<100x1xf32> -> vector<100x16xf32>
    %max3A_783 = arith.maximumf %get3A_781, %concatenate3A_782 : vector<100x16xf32>
    %swap3A_784 = arith.constant 0 : index
    %swap3A_785 = arith.constant 0 : index
    %swap3A_786 = vector.load %arg11[%swap3A_784, %swap3A_785] : memref<100x16xf32, #tpu.memory_space<vmem>>, vector<100x16xf32>
    tpu.vector_store %arg11[%swap3A_784, %swap3A_785], %max3A_783 {strides = array<i32>} : memref<100x16xf32, #tpu.memory_space<vmem>>, vector<100x16xf32>,
    %get3A_787 = arith.constant 0 : index
    %get3A_788 = arith.constant 0 : index
    %get3A_789 = vector.load %arg12[%get3A_787, %get3A_788] : memref<100x16xf32, #tpu.memory_space<vmem>>, vector<100x16xf32>
    %concatenate3A_790 = tpu.concatenate %broadcast_in_dim3A_24, %broadcast_in_dim3A_52, %broadcast_in_dim3A_105, %broadcast_in_dim3A_158, %broadcast_in_dim3A_211, %broadcast_in_dim3A_264, %broadcast_in_dim3A_317, %broadcast_in_dim3A_370, %broadcast_in_dim3A_423, %broadcast_in_dim3A_476, %broadcast_in_dim3A_529, %broadcast_in_dim3A_582, %broadcast_in_dim3A_635, %broadcast_in_dim3A_688, %broadcast_in_dim3A_741, %broadcast_in_dim3A_764 in 1 : vector<100x1xf32>, vector<100x1xf32>, vector<100x1xf32>, vector<100x1xf32>, vector<100x1xf32>, vector<100x1xf32>, vector<100x1xf32>, vector<100x1xf32>, vector<100x1xf32>, vector<100x1xf32>, vector<100x1xf32>, vector<100x1xf32>, vector<100x1xf32>, vector<100x1xf32>, vector<100x1xf32>, vector<100x1xf32> -> vector<100x16xf32>
    %add3A_791 = arith.addf %get3A_789, %concatenate3A_790 : vector<100x16xf32>
    %swap3A_792 = arith.constant 0 : index
    %swap3A_793 = arith.constant 0 : index
    %swap3A_794 = vector.load %arg12[%swap3A_792, %swap3A_793] : memref<100x16xf32, #tpu.memory_space<vmem>>, vector<100x16xf32>
    tpu.vector_store %arg12[%swap3A_792, %swap3A_793], %add3A_791 {strides = array<i32>} : memref<100x16xf32, #tpu.memory_space<vmem>>, vector<100x16xf32>,
    %get3A_795 = arith.constant 0 : index
    %get3A_796 = arith.constant 0 : index
    %get3A_797 = vector.load %arg15[%get3A_795, %get3A_796] : memref<100x16xf32, #tpu.memory_space<vmem>>, vector<100x16xf32>
    %concatenate3A_798 = tpu.concatenate %broadcast_in_dim3A_24, %broadcast_in_dim3A_56, %broadcast_in_dim3A_109, %broadcast_in_dim3A_162, %broadcast_in_dim3A_215, %broadcast_in_dim3A_268, %broadcast_in_dim3A_321, %broadcast_in_dim3A_374, %broadcast_in_dim3A_427, %broadcast_in_dim3A_480, %broadcast_in_dim3A_533, %broadcast_in_dim3A_586, %broadcast_in_dim3A_639, %broadcast_in_dim3A_692, %broadcast_in_dim3A_745, %broadcast_in_dim3A_24 in 1 : vector<100x1xf32>, vector<100x1xf32>, vector<100x1xf32>, vector<100x1xf32>, vector<100x1xf32>, vector<100x1xf32>, vector<100x1xf32>, vector<100x1xf32>, vector<100x1xf32>, vector<100x1xf32>, vector<100x1xf32>, vector<100x1xf32>, vector<100x1xf32>, vector<100x1xf32>, vector<100x1xf32>, vector<100x1xf32> -> vector<100x16xf32>
    %add3A_799 = arith.addf %get3A_797, %concatenate3A_798 : vector<100x16xf32>
    %swap3A_800 = arith.constant 0 : index
    %swap3A_801 = arith.constant 0 : index
    %swap3A_802 = vector.load %arg15[%swap3A_800, %swap3A_801] : memref<100x16xf32, #tpu.memory_space<vmem>>, vector<100x16xf32>
    tpu.vector_store %arg15[%swap3A_800, %swap3A_801], %add3A_799 {strides = array<i32>} : memref<100x16xf32, #tpu.memory_space<vmem>>, vector<100x16xf32>,
    %get3A_803 = arith.constant 0 : index
    %get3A_804 = arith.constant 0 : index
    %get3A_805 = vector.load %arg13[%get3A_803, %get3A_804] : memref<100x16xf32, #tpu.memory_space<vmem>>, vector<100x16xf32>
    %concatenate3A_806 = tpu.concatenate %broadcast_in_dim3A_24, %broadcast_in_dim3A_60, %broadcast_in_dim3A_113, %broadcast_in_dim3A_166, %broadcast_in_dim3A_219, %broadcast_in_dim3A_272, %broadcast_in_dim3A_325, %broadcast_in_dim3A_378, %broadcast_in_dim3A_431, %broadcast_in_dim3A_484, %broadcast_in_dim3A_537, %broadcast_in_dim3A_590, %broadcast_in_dim3A_643, %broadcast_in_dim3A_696, %broadcast_in_dim3A_749, %broadcast_in_dim3A_767 in 1 : vector<100x1xf32>, vector<100x1xf32>, vector<100x1xf32>, vector<100x1xf32>, vector<100x1xf32>, vector<100x1xf32>, vector<100x1xf32>, vector<100x1xf32>, vector<100x1xf32>, vector<100x1xf32>, vector<100x1xf32>, vector<100x1xf32>, vector<100x1xf32>, vector<100x1xf32>, vector<100x1xf32>, vector<100x1xf32> -> vector<100x16xf32>
    %add3A_807 = arith.addf %get3A_805, %concatenate3A_806 : vector<100x16xf32>
    %swap3A_808 = arith.constant 0 : index
    %swap3A_809 = arith.constant 0 : index
    %swap3A_810 = vector.load %arg13[%swap3A_808, %swap3A_809] : memref<100x16xf32, #tpu.memory_space<vmem>>, vector<100x16xf32>
    tpu.vector_store %arg13[%swap3A_808, %swap3A_809], %add3A_807 {strides = array<i32>} : memref<100x16xf32, #tpu.memory_space<vmem>>, vector<100x16xf32>,
    %get3A_811 = arith.constant 0 : index
    %get3A_812 = arith.constant 0 : index
    %get3A_813 = vector.load %arg16[%get3A_811, %get3A_812] : memref<100x16xf32, #tpu.memory_space<vmem>>, vector<100x16xf32>
    %concatenate3A_814 = tpu.concatenate %broadcast_in_dim3A_24, %broadcast_in_dim3A_64, %broadcast_in_dim3A_117, %broadcast_in_dim3A_170, %broadcast_in_dim3A_223, %broadcast_in_dim3A_276, %broadcast_in_dim3A_329, %broadcast_in_dim3A_382, %broadcast_in_dim3A_435, %broadcast_in_dim3A_488, %broadcast_in_dim3A_541, %broadcast_in_dim3A_594, %broadcast_in_dim3A_647, %broadcast_in_dim3A_700, %broadcast_in_dim3A_753, %broadcast_in_dim3A_24 in 1 : vector<100x1xf32>, vector<100x1xf32>, vector<100x1xf32>, vector<100x1xf32>, vector<100x1xf32>, vector<100x1xf32>, vector<100x1xf32>, vector<100x1xf32>, vector<100x1xf32>, vector<100x1xf32>, vector<100x1xf32>, vector<100x1xf32>, vector<100x1xf32>, vector<100x1xf32>, vector<100x1xf32>, vector<100x1xf32> -> vector<100x16xf32>
    %add3A_815 = arith.addf %get3A_813, %concatenate3A_814 : vector<100x16xf32>
    %swap3A_816 = arith.constant 0 : index
    %swap3A_817 = arith.constant 0 : index
    %swap3A_818 = vector.load %arg16[%swap3A_816, %swap3A_817] : memref<100x16xf32, #tpu.memory_space<vmem>>, vector<100x16xf32>
    tpu.vector_store %arg16[%swap3A_816, %swap3A_817], %add3A_815 {strides = array<i32>} : memref<100x16xf32, #tpu.memory_space<vmem>>, vector<100x16xf32>,
    %get3A_819 = arith.constant 0 : index
    %get3A_820 = arith.constant 0 : index
    %get3A_821 = vector.load %arg14[%get3A_819, %get3A_820] : memref<100x16xf32, #tpu.memory_space<vmem>>, vector<100x16xf32>
    %concatenate3A_822 = tpu.concatenate %broadcast_in_dim3A_24, %broadcast_in_dim3A_68, %broadcast_in_dim3A_121, %broadcast_in_dim3A_174, %broadcast_in_dim3A_227, %broadcast_in_dim3A_280, %broadcast_in_dim3A_333, %broadcast_in_dim3A_386, %broadcast_in_dim3A_439, %broadcast_in_dim3A_492, %broadcast_in_dim3A_545, %broadcast_in_dim3A_598, %broadcast_in_dim3A_651, %broadcast_in_dim3A_704, %broadcast_in_dim3A_757, %broadcast_in_dim3A_770 in 1 : vector<100x1xf32>, vector<100x1xf32>, vector<100x1xf32>, vector<100x1xf32>, vector<100x1xf32>, vector<100x1xf32>, vector<100x1xf32>, vector<100x1xf32>, vector<100x1xf32>, vector<100x1xf32>, vector<100x1xf32>, vector<100x1xf32>, vector<100x1xf32>, vector<100x1xf32>, vector<100x1xf32>, vector<100x1xf32> -> vector<100x16xf32>
    %add3A_823 = arith.addf %get3A_821, %concatenate3A_822 : vector<100x16xf32>
    %swap3A_824 = arith.constant 0 : index
    %swap3A_825 = arith.constant 0 : index
    %swap3A_826 = vector.load %arg14[%swap3A_824, %swap3A_825] : memref<100x16xf32, #tpu.memory_space<vmem>>, vector<100x16xf32>
    tpu.vector_store %arg14[%swap3A_824, %swap3A_825], %add3A_823 {strides = array<i32>} : memref<100x16xf32, #tpu.memory_space<vmem>>, vector<100x16xf32>,
    %get3A_827 = arith.constant 0 : index
    %get3A_828 = arith.constant 0 : index
    %get3A_829 = vector.load %arg17[%get3A_827, %get3A_828] : memref<100x16xf32, #tpu.memory_space<vmem>>, vector<100x16xf32>
    %concatenate3A_830 = tpu.concatenate %broadcast_in_dim3A_24, %broadcast_in_dim3A_72, %broadcast_in_dim3A_125, %broadcast_in_dim3A_178, %broadcast_in_dim3A_231, %broadcast_in_dim3A_284, %broadcast_in_dim3A_337, %broadcast_in_dim3A_390, %broadcast_in_dim3A_443, %broadcast_in_dim3A_496, %broadcast_in_dim3A_549, %broadcast_in_dim3A_602, %broadcast_in_dim3A_655, %broadcast_in_dim3A_708, %broadcast_in_dim3A_761, %broadcast_in_dim3A_24 in 1 : vector<100x1xf32>, vector<100x1xf32>, vector<100x1xf32>, vector<100x1xf32>, vector<100x1xf32>, vector<100x1xf32>, vector<100x1xf32>, vector<100x1xf32>, vector<100x1xf32>, vector<100x1xf32>, vector<100x1xf32>, vector<100x1xf32>, vector<100x1xf32>, vector<100x1xf32>, vector<100x1xf32>, vector<100x1xf32> -> vector<100x16xf32>
    %add3A_831 = arith.addf %get3A_829, %concatenate3A_830 : vector<100x16xf32>
    %swap3A_832 = arith.constant 0 : index
    %swap3A_833 = arith.constant 0 : index
    %swap3A_834 = vector.load %arg17[%swap3A_832, %swap3A_833] : memref<100x16xf32, #tpu.memory_space<vmem>>, vector<100x16xf32>
    tpu.vector_store %arg17[%swap3A_832, %swap3A_833], %add3A_831 {strides = array<i32>} : memref<100x16xf32, #tpu.memory_space<vmem>>, vector<100x16xf32>,
    %eq3A_835 = arith.constant 15 : i32
    %eq3A_836 = arith.cmpi eq, %arg0, %eq3A_835 : i32
    %convert_element_type3A_837 = arith.extui %eq3A_836 : i1 to i32
    %cond3A_838 = arith.constant 0 : i32
    %cond3A_839 = arith.cmpi ne, %convert_element_type3A_837, %cond3A_838 : i32
    scf.if %cond3A_839 {
      %iota3A_840 = tpu.iota {dimensions = array<i32: 1>} : vector<100x16xi32>
      %convert_element_type3A_841 = arith.sitofp %iota3A_840 : vector<100x16xi32> to vector<100x16xf32>
      %mul3A_842 = arith.constant 4369.06689 : f32
      %mul3A_843 = vector.broadcast %mul3A_842 : f32 to vector<100x16xf32>
      %mul3A_844 = arith.mulf %convert_element_type3A_841, %mul3A_843 : vector<100x16xf32>
      %add3A_845 = arith.constant 5.000000e-01 : f32
      %add3A_846 = vector.broadcast %add3A_845 : f32 to vector<100x16xf32>
      %add3A_847 = arith.addf %mul3A_844, %add3A_846 : vector<100x16xf32>
      %get3A_848 = arith.constant 0 : index
      %get3A_849 = arith.constant 0 : index
      %get3A_850 = vector.load %arg11[%get3A_848, %get3A_849] : memref<100x16xf32, #tpu.memory_space<vmem>>, vector<100x16xf32>
      %max3A_851 = arith.constant 0.000000e+00 : f32
      %max3A_852 = vector.broadcast %max3A_851 : f32 to vector<100x16xf32>
      %max3A_853 = arith.maximumf %get3A_850, %max3A_852 : vector<100x16xf32>
      %get3A_854 = arith.constant 0 : index
      %get3A_855 = arith.constant 0 : index
      %get3A_856 = vector.load %arg15[%get3A_854, %get3A_855] : memref<100x16xf32, #tpu.memory_space<vmem>>, vector<100x16xf32>
      %lt3A_857 = arith.constant 5.000000e-01 : f32
      %lt3A_858 = vector.broadcast %lt3A_857 : f32 to vector<100x16xf32>
      %lt3A_859 = arith.cmpf olt, %get3A_856, %lt3A_858 : vector<100x16xf32>
      %sub3A = arith.subf %add3A_847, %max3A_853 : vector<100x16xf32>
      %max3A_860 = arith.constant 1.000000e+00 : f32
      %max3A_861 = vector.broadcast %max3A_860 : f32 to vector<100x16xf32>
      %max3A_862 = arith.maximumf %get3A_856, %max3A_861 : vector<100x16xf32>
      %div3A_863 = arith.divf %sub3A, %max3A_862 : vector<100x16xf32>
      %jit3A_864 = arith.constant 0.000000e+00 : f32
      %broadcast_in_dim3A_865 = vector.broadcast %jit3A_864 : f32 to vector<100x16xf32>
      %select_n3A_866 = arith.select %lt3A_859, %broadcast_in_dim3A_865, %div3A_863 : vector<100x16xi1>, vector<100x16xf32>
      %get3A_867 = arith.constant 0 : index
      %get3A_868 = arith.constant 0 : index
      %get3A_869 = vector.load %arg3[%get3A_867, %get3A_868] : memref<100x1xf32, #tpu.memory_space<vmem>>, vector<100x1xf32>
      %broadcast_in_dim3A_870 = vector.shape_cast %get3A_869 : vector<100x1xf32> to vector<100x1xf32>
      %broadcast_in_dim3A_871 = vector.broadcast %broadcast_in_dim3A_870 : vector<100x1xf32> to vector<100x16xf32>
      %get3A_872 = arith.constant 0 : index
      %get3A_873 = arith.constant 0 : index
      %get3A_874 = vector.load %arg10[%get3A_872, %get3A_873] : memref<100x16xf32, #tpu.memory_space<vmem>>, vector<100x16xf32>
      %convert_element_type3A_875 = arith.fptosi %get3A_874 : vector<100x16xf32> to vector<100x16xi32>
      %shift_left3A = arith.constant 17 : i32
      %shift_left3A_876 = vector.broadcast %shift_left3A : i32 to vector<100x16xi32>
      %shift_left3A_877 = arith.shli %convert_element_type3A_875, %shift_left3A_876 : vector<100x16xi32>
      %bitcast_convert_type3A = tpu.bitcast %shift_left3A_877 : vector<100x16xi32> -> vector<100x16xf32>
      %add3A_878 = arith.constant 1 : i32
      %add3A_879 = vector.broadcast %add3A_878 : i32 to vector<100x16xi32>
      %add3A_880 = arith.addi %convert_element_type3A_875, %add3A_879 : vector<100x16xi32>
      %shift_left3A_881 = arith.constant 17 : i32
      %shift_left3A_882 = vector.broadcast %shift_left3A_881 : i32 to vector<100x16xi32>
      %shift_left3A_883 = arith.shli %add3A_880, %shift_left3A_882 : vector<100x16xi32>
      %bitcast_convert_type3A_884 = tpu.bitcast %shift_left3A_883 : vector<100x16xi32> -> vector<100x16xf32>
      %sub3A_885 = arith.subf %bitcast_convert_type3A_884, %bitcast_convert_type3A : vector<100x16xf32>
      %mul3A_886 = arith.mulf %select_n3A_866, %sub3A_885 : vector<100x16xf32>
      %add3A_887 = arith.addf %bitcast_convert_type3A, %mul3A_886 : vector<100x16xf32>
      %get3A_888 = arith.constant 0 : index
      %get3A_889 = arith.constant 0 : index
      %get3A_890 = vector.load %arg4[%get3A_888, %get3A_889] : memref<100x1xf32, #tpu.memory_space<vmem>>, vector<100x1xf32>
      %broadcast_in_dim3A_891 = vector.shape_cast %get3A_890 : vector<100x1xf32> to vector<100x1xf32>
      %broadcast_in_dim3A_892 = vector.broadcast %broadcast_in_dim3A_891 : vector<100x1xf32> to vector<100x16xf32>
      %eq3A_893 = arith.constant 0 : i32
      %eq3A_894 = vector.broadcast %eq3A_893 : i32 to vector<100x16xi32>
      %eq3A_895 = arith.cmpi eq, %iota3A_840, %eq3A_894 : vector<100x16xi32>
      %eq3A_896 = arith.constant 15 : i32
      %eq3A_897 = vector.broadcast %eq3A_896 : i32 to vector<100x16xi32>
      %eq3A_898 = arith.cmpi eq, %iota3A_840, %eq3A_897 : vector<100x16xi32>
      %select_n3A_899 = arith.select %eq3A_898, %broadcast_in_dim3A_892, %add3A_887 : vector<100x16xi1>, vector<100x16xf32>
      %select_n3A_900 = arith.select %eq3A_895, %broadcast_in_dim3A_871, %select_n3A_899 : vector<100x16xi1>, vector<100x16xf32>
      %swap3A_901 = arith.constant 0 : index
      %swap3A_902 = arith.constant 0 : index
      %swap3A_903 = vector.load %arg5[%swap3A_901, %swap3A_902] : memref<100x16xf32, #tpu.memory_space<vmem>>, vector<100x16xf32>
      tpu.vector_store %arg5[%swap3A_901, %swap3A_902], %select_n3A_900 {strides = array<i32>} : memref<100x16xf32, #tpu.memory_space<vmem>>, vector<100x16xf32>,
      %get3A_904 = arith.constant 0 : index
      %get3A_905 = arith.constant 0 : index
      %get3A_906 = vector.load %arg12[%get3A_904, %get3A_905] : memref<100x16xf32, #tpu.memory_space<vmem>>, vector<100x16xf32>
      %get3A_907 = arith.constant 0 : index
      %get3A_908 = arith.constant 0 : index
      %get3A_909 = vector.load %arg15[%get3A_907, %get3A_908] : memref<100x16xf32, #tpu.memory_space<vmem>>, vector<100x16xf32>
      %mul3A_910 = arith.mulf %select_n3A_866, %get3A_909 : vector<100x16xf32>
      %add3A_911 = arith.addf %get3A_906, %mul3A_910 : vector<100x16xf32>
      %get3A_912 = arith.constant 0 : index
      %get3A_913 = arith.constant 0 : index
      %get3A_914 = vector.load %arg13[%get3A_912, %get3A_913] : memref<100x16xf32, #tpu.memory_space<vmem>>, vector<100x16xf32>
      %get3A_915 = arith.constant 0 : index
      %get3A_916 = arith.constant 0 : index
      %get3A_917 = vector.load %arg16[%get3A_915, %get3A_916] : memref<100x16xf32, #tpu.memory_space<vmem>>, vector<100x16xf32>
      %mul3A_918 = arith.mulf %select_n3A_866, %get3A_917 : vector<100x16xf32>
      %add3A_919 = arith.addf %get3A_914, %mul3A_918 : vector<100x16xf32>
      %get3A_920 = arith.constant 0 : index
      %get3A_921 = arith.constant 0 : index
      %get3A_922 = vector.load %arg14[%get3A_920, %get3A_921] : memref<100x16xf32, #tpu.memory_space<vmem>>, vector<100x16xf32>
      %get3A_923 = arith.constant 0 : index
      %get3A_924 = arith.constant 0 : index
      %get3A_925 = vector.load %arg17[%get3A_923, %get3A_924] : memref<100x16xf32, #tpu.memory_space<vmem>>, vector<100x16xf32>
      %mul3A_926 = arith.mulf %select_n3A_866, %get3A_925 : vector<100x16xf32>
      %add3A_927 = arith.addf %get3A_922, %mul3A_926 : vector<100x16xf32>
      %eq3A_928 = arith.constant 0 : i32
      %eq3A_929 = vector.broadcast %eq3A_928 : i32 to vector<100x16xi32>
      %eq3A_930 = arith.cmpi eq, %iota3A_840, %eq3A_929 : vector<100x16xi32>
      %jit3A_931 = arith.constant 1.000000e+00 : f32
      %broadcast_in_dim3A_932 = vector.broadcast %jit3A_931 : f32 to vector<100x16xf32>
      %select_n3A_933 = arith.select %eq3A_930, %broadcast_in_dim3A_932, %add3A_911 : vector<100x16xi1>, vector<100x16xf32>
      %swap3A_934 = arith.constant 0 : index
      %swap3A_935 = arith.constant 0 : index
      %swap3A_936 = vector.load %arg6[%swap3A_934, %swap3A_935] : memref<100x16xf32, #tpu.memory_space<vmem>>, vector<100x16xf32>
      tpu.vector_store %arg6[%swap3A_934, %swap3A_935], %select_n3A_933 {strides = array<i32>} : memref<100x16xf32, #tpu.memory_space<vmem>>, vector<100x16xf32>,
      %eq3A_937 = arith.constant 0 : i32
      %eq3A_938 = vector.broadcast %eq3A_937 : i32 to vector<100x16xi32>
      %eq3A_939 = arith.cmpi eq, %iota3A_840, %eq3A_938 : vector<100x16xi32>
      %select_n3A_940 = arith.select %eq3A_939, %broadcast_in_dim3A_871, %add3A_919 : vector<100x16xi1>, vector<100x16xf32>
      %swap3A_941 = arith.constant 0 : index
      %swap3A_942 = arith.constant 0 : index
      %swap3A_943 = vector.load %arg7[%swap3A_941, %swap3A_942] : memref<100x16xf32, #tpu.memory_space<vmem>>, vector<100x16xf32>
      tpu.vector_store %arg7[%swap3A_941, %swap3A_942], %select_n3A_940 {strides = array<i32>} : memref<100x16xf32, #tpu.memory_space<vmem>>, vector<100x16xf32>,
      %eq3A_944 = arith.constant 0 : i32
      %eq3A_945 = vector.broadcast %eq3A_944 : i32 to vector<100x16xi32>
      %eq3A_946 = arith.cmpi eq, %iota3A_840, %eq3A_945 : vector<100x16xi32>
      %mul3A_947 = arith.mulf %broadcast_in_dim3A_871, %broadcast_in_dim3A_871 : vector<100x16xf32>
      %select_n3A_948 = arith.select %eq3A_946, %mul3A_947, %add3A_927 : vector<100x16xi1>, vector<100x16xf32>
      %swap3A_949 = arith.constant 0 : index
      %swap3A_950 = arith.constant 0 : index
      %swap3A_951 = vector.load %arg8[%swap3A_949, %swap3A_950] : memref<100x16xf32, #tpu.memory_space<vmem>>, vector<100x16xf32>
      tpu.vector_store %arg8[%swap3A_949, %swap3A_950], %select_n3A_948 {strides = array<i32>} : memref<100x16xf32, #tpu.memory_space<vmem>>, vector<100x16xf32>,
    } else {
    }
    return
  }
  func.func @transform_0(%arg0: i32) -> (i32, i32, i32) {
    %c0_i32 = arith.constant 0 : i32
    %c0_i32_0 = arith.constant 0 : i32
    %c0_i32_1 = arith.constant 0 : i32
    return %c0_i32, %c0_i32_0, %arg0 : i32, i32, i32
  }
  func.func @transform_1(%arg0: i32) -> (i32, i32, i32) {
    %c1_i32 = arith.constant 1 : i32
    %c0_i32 = arith.constant 0 : i32
    %c0_i32_0 = arith.constant 0 : i32
    return %c1_i32, %c0_i32, %arg0 : i32, i32, i32
  }
  func.func @transform_2(%arg0: i32) -> (i32, i32) {
    %c0_i32 = arith.constant 0 : i32
    %c0_i32_0 = arith.constant 0 : i32
    %c0_i32_1 = arith.constant 0 : i32
    return %c0_i32, %c0_i32_0 : i32, i32
  }
  func.func @transform_3(%arg0: i32) -> (i32, i32) {
    %c0_i32 = arith.constant 0 : i32
    %c0_i32_0 = arith.constant 0 : i32
    %c0_i32_1 = arith.constant 0 : i32
    return %c0_i32, %c0_i32_0 : i32, i32
  }
  func.func @transform_4(%arg0: i32) -> (i32, i32) {
    %c0_i32 = arith.constant 0 : i32
    %c0_i32_0 = arith.constant 0 : i32
    %c0_i32_1 = arith.constant 0 : i32
    return %c0_i32, %c0_i32_0 : i32, i32
  }
  func.func @transform_5(%arg0: i32) -> (i32, i32) {
    %c0_i32 = arith.constant 0 : i32
    %c0_i32_0 = arith.constant 0 : i32
    %c0_i32_1 = arith.constant 0 : i32
    return %c0_i32, %c0_i32_0 : i32, i32
  }
  func.func @transform_6(%arg0: i32) -> (i32, i32) {
    %c0_i32 = arith.constant 0 : i32
    %c0_i32_0 = arith.constant 0 : i32
    %c0_i32_1 = arith.constant 0 : i32
    return %c0_i32, %c0_i32_0 : i32, i32
  }
  func.func @transform_7(%arg0: i32) -> (i32, i32) {
    %c0_i32 = arith.constant 0 : i32
    %c0_i32_0 = arith.constant 0 : i32
    %c0_i32_1 = arith.constant 0 : i32
    return %c0_i32, %c0_i32_0 : i32, i32
  }
}

module attributes {stable_mosaic.version = 14 : i64} {
  func.func @_bin_body(%arg0: i32, %arg1: memref<100x2048xf32, #tpu.memory_space<vmem>>, %arg2: memref<1x1x2048xi32, #tpu.memory_space<vmem>>, %arg3: memref<100x16xf32, #tpu.memory_space<vmem>>, %arg4: memref<100x16xf32, #tpu.memory_space<vmem>>, %arg5: memref<100x16xf32, #tpu.memory_space<vmem>>, %arg6: memref<100x16xf32, #tpu.memory_space<vmem>>, %arg7: memref<100x1xf32, #tpu.memory_space<vmem>>, %arg8: memref<100x16xf32, #tpu.memory_space<vmem>>, %arg9: memref<100x16xf32, #tpu.memory_space<vmem>>) attributes {dimension_semantics = [#tpu.dimension_semantics<arbitrary>], iteration_bounds = array<i64: 32>, scalar_prefetch = 0 : i64, scratch_operands = 2 : i64, tpu.core_type = #tpu.core_type<tc>, window_params = [{transform_indices = @transform_0, window_bounds = array<i64: 100, 2048>}, {transform_indices = @transform_1, window_bounds = array<i64: 1, 1, 2048>}, {pipeline_mode = #tpu.pipeline_mode<synchronous>, transform_indices = @transform_2, window_bounds = array<i64: 100, 16>}, {pipeline_mode = #tpu.pipeline_mode<synchronous>, transform_indices = @transform_3, window_bounds = array<i64: 100, 16>}, {pipeline_mode = #tpu.pipeline_mode<synchronous>, transform_indices = @transform_4, window_bounds = array<i64: 100, 16>}, {pipeline_mode = #tpu.pipeline_mode<synchronous>, transform_indices = @transform_5, window_bounds = array<i64: 100, 16>}, {pipeline_mode = #tpu.pipeline_mode<synchronous>, transform_indices = @transform_6, window_bounds = array<i64: 100, 1>}]} {
    %eq3A = arith.constant 0 : i32
    %eq3A_0 = arith.cmpi eq, %arg0, %eq3A : i32
    %convert_element_type3A = arith.extui %eq3A_0 : i1 to i32
    %cond3A = arith.constant 0 : i32
    %cond3A_1 = arith.cmpi ne, %convert_element_type3A, %cond3A : i32
    scf.if %cond3A_1 {
      %broadcast_in_dim3A_42 = arith.constant 0.000000e+00 : f32
      %broadcast_in_dim3A_43 = vector.broadcast %broadcast_in_dim3A_42 : f32 to vector<100x16xf32>
      %swap3A_44 = arith.constant 0 : index
      %swap3A_45 = arith.constant 0 : index
      %swap3A_46 = vector.load %arg8[%swap3A_44, %swap3A_45] : memref<100x16xf32, #tpu.memory_space<vmem>>, vector<100x16xf32>
      tpu.vector_store %arg8[%swap3A_44, %swap3A_45], %broadcast_in_dim3A_43 {strides = array<i32>} : memref<100x16xf32, #tpu.memory_space<vmem>>, vector<100x16xf32>,
      %swap3A_47 = arith.constant 0 : index
      %swap3A_48 = arith.constant 0 : index
      %swap3A_49 = vector.load %arg9[%swap3A_47, %swap3A_48] : memref<100x16xf32, #tpu.memory_space<vmem>>, vector<100x16xf32>
      tpu.vector_store %arg9[%swap3A_47, %swap3A_48], %broadcast_in_dim3A_43 {strides = array<i32>} : memref<100x16xf32, #tpu.memory_space<vmem>>, vector<100x16xf32>,
    } else {
    }
    %get3A = arith.constant 0 : index
    %get3A_2 = arith.constant 0 : index
    %get3A_3 = vector.load %arg1[%get3A, %get3A_2] : memref<100x2048xf32, #tpu.memory_space<vmem>>, vector<100x2048xf32>
    %get3A_4 = arith.constant 0 : index
    %get3A_5 = arith.constant 0 : index
    %get3A_6 = arith.constant 0 : index
    %get3A_7 = vector.load %arg2[%get3A_4, %get3A_5, %get3A_6] : memref<1x1x2048xi32, #tpu.memory_space<vmem>>, vector<1x1x2048xi32>
    %get3A_8 = vector.shape_cast %get3A_7 : vector<1x1x2048xi32> to vector<1x2048xi32>
    %iota3A = tpu.iota {dimensions = array<i32: 0>} : vector<100x2048xi32>
    %eq3A_9 = vector.broadcast %get3A_8 : vector<1x2048xi32> to vector<100x2048xi32>
    %eq3A_10 = arith.cmpi eq, %eq3A_9, %iota3A : vector<100x2048xi32>
    %convert_element_type3A_11 = arith.extui %eq3A_10 : vector<100x2048xi1> to vector<100x2048xi32>
    %convert_element_type3A_12 = arith.sitofp %convert_element_type3A_11 : vector<100x2048xi32> to vector<100x2048xf32>
    %mul3A = arith.mulf %get3A_3, %convert_element_type3A_12 : vector<100x2048xf32>
    %get3A_13 = arith.constant 0 : index
    %get3A_14 = arith.constant 0 : index
    %get3A_15 = vector.load %arg3[%get3A_13, %get3A_14] : memref<100x16xf32, #tpu.memory_space<vmem>>, vector<100x16xf32>
    %reduce_sum3A = arith.constant dense<0.000000e+00> : vector<2048xf32>
    %reduce_sum3A_16 = vector.multi_reduction <add>, %mul3A, %reduce_sum3A [0] : vector<100x2048xf32> to vector<2048xf32>
    %broadcast_in_dim3A = vector.shape_cast %reduce_sum3A_16 : vector<2048xf32> to vector<1x2048xf32>
    %dot_general3A = arith.constant dense<0.000000e+00> : vector<16x2048xf32>
    %dot_general3A_17 = tpu.matmul %get3A_15, %convert_element_type3A_12, %dot_general3A {dimension_numbers = #tpu.dot_dimension_numbers<[0], [0], [1], [1], [0, 1, 1, 1], [], []>, transpose_lhs_hint = false} : vector<100x16xf32>, vector<100x2048xf32>, vector<16x2048xf32> -> vector<16x2048xf32>
    %gt3A = vector.broadcast %broadcast_in_dim3A : vector<1x2048xf32> to vector<16x2048xf32>
    %gt3A_18 = arith.cmpf ogt, %gt3A, %dot_general3A_17 : vector<16x2048xf32>
    %convert_element_type3A_19 = arith.extui %gt3A_18 : vector<16x2048xi1> to vector<16x2048xi32>
    %convert_element_type3A_20 = arith.sitofp %convert_element_type3A_19 : vector<16x2048xi32> to vector<16x2048xf32>
    %get3A_21 = arith.constant 0 : index
    %get3A_22 = arith.constant 0 : index
    %get3A_23 = vector.load %arg8[%get3A_21, %get3A_22] : memref<100x16xf32, #tpu.memory_space<vmem>>, vector<100x16xf32>
    %dot_general3A_24 = arith.constant dense<0.000000e+00> : vector<100x16xf32>
    %dot_general3A_25 = tpu.matmul %convert_element_type3A_12, %convert_element_type3A_20, %dot_general3A_24 {dimension_numbers = #tpu.dot_dimension_numbers<[1], [1], [0], [0], [0, 0, 1, 0], [], []>, transpose_lhs_hint = false} : vector<100x2048xf32>, vector<16x2048xf32>, vector<100x16xf32> -> vector<100x16xf32>
    %add3A = arith.addf %get3A_23, %dot_general3A_25 : vector<100x16xf32>
    %swap3A = arith.constant 0 : index
    %swap3A_26 = arith.constant 0 : index
    %swap3A_27 = vector.load %arg8[%swap3A, %swap3A_26] : memref<100x16xf32, #tpu.memory_space<vmem>>, vector<100x16xf32>
    tpu.vector_store %arg8[%swap3A, %swap3A_26], %add3A {strides = array<i32>} : memref<100x16xf32, #tpu.memory_space<vmem>>, vector<100x16xf32>,
    %get3A_28 = arith.constant 0 : index
    %get3A_29 = arith.constant 0 : index
    %get3A_30 = vector.load %arg9[%get3A_28, %get3A_29] : memref<100x16xf32, #tpu.memory_space<vmem>>, vector<100x16xf32>
    %dot_general3A_31 = arith.constant dense<0.000000e+00> : vector<100x16xf32>
    %dot_general3A_32 = tpu.matmul %mul3A, %convert_element_type3A_20, %dot_general3A_31 {dimension_numbers = #tpu.dot_dimension_numbers<[1], [1], [0], [0], [0, 0, 1, 0], [], []>, transpose_lhs_hint = false} : vector<100x2048xf32>, vector<16x2048xf32>, vector<100x16xf32> -> vector<100x16xf32>
    %add3A_33 = arith.addf %get3A_30, %dot_general3A_32 : vector<100x16xf32>
    %swap3A_34 = arith.constant 0 : index
    %swap3A_35 = arith.constant 0 : index
    %swap3A_36 = vector.load %arg9[%swap3A_34, %swap3A_35] : memref<100x16xf32, #tpu.memory_space<vmem>>, vector<100x16xf32>
    tpu.vector_store %arg9[%swap3A_34, %swap3A_35], %add3A_33 {strides = array<i32>} : memref<100x16xf32, #tpu.memory_space<vmem>>, vector<100x16xf32>,
    %eq3A_37 = arith.constant 31 : i32
    %eq3A_38 = arith.cmpi eq, %arg0, %eq3A_37 : i32
    %convert_element_type3A_39 = arith.extui %eq3A_38 : i1 to i32
    %cond3A_40 = arith.constant 0 : i32
    %cond3A_41 = arith.cmpi ne, %convert_element_type3A_39, %cond3A_40 : i32
    scf.if %cond3A_41 {
      %get3A_42 = arith.constant 0 : index
      %get3A_43 = arith.constant 0 : index
      %get3A_44 = vector.load %arg4[%get3A_42, %get3A_43] : memref<100x16xf32, #tpu.memory_space<vmem>>, vector<100x16xf32>
      %get3A_45 = arith.constant 0 : index
      %get3A_46 = arith.constant 0 : index
      %get3A_47 = vector.load %arg5[%get3A_45, %get3A_46] : memref<100x16xf32, #tpu.memory_space<vmem>>, vector<100x16xf32>
      %get3A_48 = arith.constant 0 : index
      %get3A_49 = arith.constant 0 : index
      %get3A_50 = vector.load %arg6[%get3A_48, %get3A_49] : memref<100x16xf32, #tpu.memory_space<vmem>>, vector<100x16xf32>
      %get3A_51 = arith.constant 0 : index
      %get3A_52 = arith.constant 0 : index
      %get3A_53 = vector.load %arg8[%get3A_51, %get3A_52] : memref<100x16xf32, #tpu.memory_space<vmem>>, vector<100x16xf32>
      %get3A_54 = arith.constant 0 : index
      %get3A_55 = arith.constant 0 : index
      %get3A_56 = vector.load %arg9[%get3A_54, %get3A_55] : memref<100x16xf32, #tpu.memory_space<vmem>>, vector<100x16xf32>
      %slice3A = vector.extract_strided_slice %get3A_44 {offsets = [0, 1], sizes = [100, 15], strides = [1, 1]} : vector<100x16xf32> to vector<100x15xf32>
      %slice3A_57 = vector.extract_strided_slice %get3A_44 {offsets = [0, 0], sizes = [100, 15], strides = [1, 1]} : vector<100x16xf32> to vector<100x15xf32>
      %sub3A = arith.subf %slice3A, %slice3A_57 : vector<100x15xf32>
      %slice3A_58 = vector.extract_strided_slice %get3A_47 {offsets = [0, 1], sizes = [100, 15], strides = [1, 1]} : vector<100x16xf32> to vector<100x15xf32>
      %slice3A_59 = vector.extract_strided_slice %get3A_47 {offsets = [0, 0], sizes = [100, 15], strides = [1, 1]} : vector<100x16xf32> to vector<100x15xf32>
      %sub3A_60 = arith.subf %slice3A_58, %slice3A_59 : vector<100x15xf32>
      %slice3A_61 = vector.extract_strided_slice %get3A_50 {offsets = [0, 1], sizes = [100, 15], strides = [1, 1]} : vector<100x16xf32> to vector<100x15xf32>
      %slice3A_62 = vector.extract_strided_slice %get3A_50 {offsets = [0, 0], sizes = [100, 15], strides = [1, 1]} : vector<100x16xf32> to vector<100x15xf32>
      %sub3A_63 = arith.subf %slice3A_61, %slice3A_62 : vector<100x15xf32>
      %slice3A_64 = vector.extract_strided_slice %get3A_53 {offsets = [0, 0], sizes = [100, 15], strides = [1, 1]} : vector<100x16xf32> to vector<100x15xf32>
      %slice3A_65 = vector.extract_strided_slice %get3A_53 {offsets = [0, 1], sizes = [100, 15], strides = [1, 1]} : vector<100x16xf32> to vector<100x15xf32>
      %sub3A_66 = arith.subf %slice3A_64, %slice3A_65 : vector<100x15xf32>
      %slice3A_67 = vector.extract_strided_slice %get3A_56 {offsets = [0, 0], sizes = [100, 15], strides = [1, 1]} : vector<100x16xf32> to vector<100x15xf32>
      %slice3A_68 = vector.extract_strided_slice %get3A_56 {offsets = [0, 1], sizes = [100, 15], strides = [1, 1]} : vector<100x16xf32> to vector<100x15xf32>
      %sub3A_69 = arith.subf %slice3A_67, %slice3A_68 : vector<100x15xf32>
      %sub3A_70 = arith.constant 1.000000e+00 : f32
      %sub3A_71 = vector.broadcast %sub3A_70 : f32 to vector<100x15xf32>
      %sub3A_72 = arith.subf %sub3A, %sub3A_71 : vector<100x15xf32>
      %div3A = arith.constant 1.000000e+00 : f32
      %div3A_73 = vector.broadcast %div3A : f32 to vector<100x15xf32>
      %div3A_74 = arith.divf %div3A_73, %sub3A_72 : vector<100x15xf32>
      %mul3A_75 = arith.mulf %sub3A_66, %div3A_74 : vector<100x15xf32>
      %mul3A_76 = arith.constant 2.000000e+00 : f32
      %mul3A_77 = vector.broadcast %mul3A_76 : f32 to vector<100x15xf32>
      %mul3A_78 = arith.mulf %mul3A_77, %mul3A_75 : vector<100x15xf32>
      %mul3A_79 = arith.mulf %mul3A_78, %sub3A_60 : vector<100x15xf32>
      %sub3A_80 = arith.subf %sub3A_63, %mul3A_79 : vector<100x15xf32>
      %mul3A_81 = arith.mulf %sub3A, %mul3A_75 : vector<100x15xf32>
      %mul3A_82 = arith.mulf %mul3A_81, %mul3A_75 : vector<100x15xf32>
      %add3A_83 = arith.addf %sub3A_80, %mul3A_82 : vector<100x15xf32>
      %mul3A_84 = arith.constant 2.000000e+00 : f32
      %mul3A_85 = vector.broadcast %mul3A_84 : f32 to vector<100x15xf32>
      %mul3A_86 = arith.mulf %mul3A_85, %div3A_74 : vector<100x15xf32>
      %mul3A_87 = arith.mulf %mul3A_75, %sub3A_66 : vector<100x15xf32>
      %sub3A_88 = arith.subf %sub3A_69, %mul3A_87 : vector<100x15xf32>
      %mul3A_89 = arith.mulf %mul3A_86, %sub3A_88 : vector<100x15xf32>
      %add3A_90 = arith.addf %add3A_83, %mul3A_89 : vector<100x15xf32>
      %mul3A_91 = arith.mulf %div3A_74, %div3A_74 : vector<100x15xf32>
      %mul3A_92 = arith.mulf %mul3A_91, %sub3A_66 : vector<100x15xf32>
      %add3A_93 = arith.addf %add3A_90, %mul3A_92 : vector<100x15xf32>
      %lt3A = arith.constant 5.000000e-01 : f32
      %lt3A_94 = vector.broadcast %lt3A : f32 to vector<100x15xf32>
      %lt3A_95 = arith.cmpf olt, %sub3A, %lt3A_94 : vector<100x15xf32>
      %jit3A = arith.constant 0.000000e+00 : f32
      %broadcast_in_dim3A_96 = vector.broadcast %jit3A : f32 to vector<100x15xf32>
      %select_n3A = arith.select %lt3A_95, %broadcast_in_dim3A_96, %add3A_93 : vector<100x15xi1>, vector<100x15xf32>
      %reduce_sum3A_97 = arith.constant dense<0.000000e+00> : vector<100xf32>
      %reduce_sum3A_98 = vector.multi_reduction <add>, %select_n3A, %reduce_sum3A_97 [1] : vector<100x15xf32> to vector<100xf32>
      %broadcast_in_dim3A_99 = vector.shape_cast %reduce_sum3A_98 : vector<100xf32> to vector<100x1xf32>
      %div3A_100 = arith.constant 6.553600e+04 : f32
      %div3A_101 = vector.broadcast %div3A_100 : f32 to vector<100x1xf32>
      %div3A_102 = arith.divf %broadcast_in_dim3A_99, %div3A_101 : vector<100x1xf32>
      %swap3A_103 = arith.constant 0 : index
      %swap3A_104 = arith.constant 0 : index
      %swap3A_105 = vector.load %arg7[%swap3A_103, %swap3A_104] : memref<100x1xf32, #tpu.memory_space<vmem>>, vector<100x1xf32>
      tpu.vector_store %arg7[%swap3A_103, %swap3A_104], %div3A_102 {strides = array<i32>} : memref<100x1xf32, #tpu.memory_space<vmem>>, vector<100x1xf32>,
    } else {
    }
    return
  }
  func.func @transform_0(%arg0: i32) -> (i32, i32) {
    %c0_i32 = arith.constant 0 : i32
    %c0_i32_0 = arith.constant 0 : i32
    return %c0_i32, %arg0 : i32, i32
  }
  func.func @transform_1(%arg0: i32) -> (i32, i32, i32) {
    %c0_i32 = arith.constant 0 : i32
    %c0_i32_0 = arith.constant 0 : i32
    %c0_i32_1 = arith.constant 0 : i32
    return %arg0, %c0_i32, %c0_i32_0 : i32, i32, i32
  }
  func.func @transform_2(%arg0: i32) -> (i32, i32) {
    %c0_i32 = arith.constant 0 : i32
    %c0_i32_0 = arith.constant 0 : i32
    %c0_i32_1 = arith.constant 0 : i32
    return %c0_i32, %c0_i32_0 : i32, i32
  }
  func.func @transform_3(%arg0: i32) -> (i32, i32) {
    %c0_i32 = arith.constant 0 : i32
    %c0_i32_0 = arith.constant 0 : i32
    %c0_i32_1 = arith.constant 0 : i32
    return %c0_i32, %c0_i32_0 : i32, i32
  }
  func.func @transform_4(%arg0: i32) -> (i32, i32) {
    %c0_i32 = arith.constant 0 : i32
    %c0_i32_0 = arith.constant 0 : i32
    %c0_i32_1 = arith.constant 0 : i32
    return %c0_i32, %c0_i32_0 : i32, i32
  }
  func.func @transform_5(%arg0: i32) -> (i32, i32) {
    %c0_i32 = arith.constant 0 : i32
    %c0_i32_0 = arith.constant 0 : i32
    %c0_i32_1 = arith.constant 0 : i32
    return %c0_i32, %c0_i32_0 : i32, i32
  }
  func.func @transform_6(%arg0: i32) -> (i32, i32) {
    %c0_i32 = arith.constant 0 : i32
    %c0_i32_0 = arith.constant 0 : i32
    %c0_i32_1 = arith.constant 0 : i32
    return %c0_i32, %c0_i32_0 : i32, i32
  }
}

</mosaic_0001>

<sc_bundles>
// kernel: kernel.6.cloned.1.call-start
scs
__scs_entry_jumppad:
0x0: {  	(pc) =	sbr.rel $0x88, $3  }
0x1: {  	(tag) =	ssettag $0x0;
	lr =	simm.s32 $0x1  }
0x2: {  	[smem:$0x3F9F] =	sst lr;
	_ =	strace $0xD0000000  }
0x3: {  	_ = 	snop  }
0x4: {  	_ = 	snop  }
0x5: {  	_ = 	snop  }
0x6: {  	_ = 	snop  }
0x7: {  	_ = 	snop  }
__scs_overlays_trampoline_lowered:
0x8: {  	[smem:$0x3FAE] =	sst s0  }
0x9: {  	[smem:$0x3FAF] =	sst s1  }
0xa: {  	[smem:$0x3FB0] =	sst s2  }
0xb: {  	[smem:$0x3FB1] =	sst s3  }
0xc: {  	[smem:$0x3FB2] =	sst s4  }
0xd: {  	[smem:$0x3FB3] =	sst s5  }
0xe: {  	[smem:$0x3FB4] =	sst s6  }
0xf: {  	[smem:$0x3FB5] =	sst s7  }
0x10: {  	[smem:$0x3FB6] =	sst s8  }
0x11: {  	[smem:$0x3FB7] =	sst s9;
	s0 =	simm.s32 @!p0 $0x0  }
0x12: {  	s1 =	sld [smem:$0x3F9D];
	s0 =	simm.s32 @p0 $0x1  }
0x13: {  	[smem:$0x3FB8] =	sst s0;
	s0 =	simm.s32 @!p1 $0x0  }
0x14: {  	s2 =	sld [smem:$0x3F9C];
	s0 =	simm.s32 @p1 $0x1  }
0x15: {  	[smem:$0x3FB9] =	sst s0;
	s0 =	simm.s32 @!p2 $0x0  }
0x16: {  	s3 =	sld [smem:$0x3FDB];
	s0 =	simm.s32 @p2 $0x1  }
0x17: {  	s4 =	simm.s32 $0x1BF5;
	[smem:$0x3FBB] =	sst s0  }
0x18: {  	s0 =	sld [smem:$0x3F9E];
	_ =	swait.ge [sflag:s4], $0x0  }
0x19: {  	s7 =	sld [smem:$0x3F9F]  }
0x1a: {  	s8 =	sadd.s32 $0xFFFFE003, lr  }
0x1b: {  	s9 =	sadd.s32 $0xFFFFFEF7, lr;
	s5 =	simm.s32 $0xFFFFFFFF;
	p2 =	slt.u32 s8, $0xFFFFF086  }
0x1c: {  	p1 =	slt.u32 s9, $0xF7A;
	s5 =	simm.s32 @!p2 $0x0  }
0x1d: {  	s5 =	simm.s32 @p1 $0x1;
	p0 =	seq.s32 s7, s2  }
0x1e: {  	s7 =	smul.u32 @!p0 $0xF7A, s2;
	p2 =	seq.s32 @!p0 s5, $0x0  }
0x1f: {  	s9 =	smul.u32 $0xF7A, s1;
	s8 =	simm.s32 @!p0 $0x1BF5;
	p2 =	por !p2, p0  }
0x20: {  	[sflag:s8] =	ssyncset.s32 @!p0 $0xFFFFF086;
	s6 =	sadd.s32 @!p0 s3, s7;
	s7 =	simm.s32 @!p0 $0x108  }
0x21: {  	s3 =	sadd.s32 s3, s9;
	s6 =	sadd.s32 @!p0 $0x88, s6;
	s7 =	simm.s32 @p2 $0x1082  }
0x22: {  	[simem:s7], [sflag:s8] =	dma.local @!p0 [hbm:s6], $0xF7A  }
0x23: {  	s9 =	sor.u32 $0xD0000000, s2;
	s6 =	simm.s32 $0x108;
	_ =	swait.ge @!p0 [sflag:s8], $0x0  }
0x24: {  	s3 =	sadd.s32 $0x88, s3;
	s6 =	simm.s32 @!p1 $0x1082;
	[sflag:s4] =	ssyncset.s32 $0xFFFFF086  }
0x25: {  	[simem:s6], [sflag:s4] =	dma.local [hbm:s3], $0xF7A  }
0x26: {  	[smem:$0x3F9F] =	sst s1;
	(tag) =	ssettag s2;
	_ =	strace s9  }
0x27: {  	s1 =	sld [smem:$0x3FAF]  }
0x28: {  	s2 =	sld [smem:$0x3FB0]  }
0x29: {  	s4 =	sld [smem:$0x3FB2]  }
0x2a: {  	p0 =	seq.s32 s5, $0x0;
	s5 =	sld [smem:$0x3FB3]  }
0x2b: {  	s6 =	sld [smem:$0x3FB4]  }
0x2c: {  	s7 =	sld [smem:$0x3FB5]  }
0x2d: {  	s3 =	simm.s32 $0x108;
	s8 =	sld [smem:$0x3FB6]  }
0x2e: {  	s3 =	simm.s32 @!p0 $0x1082;
	s9 =	sld [smem:$0x3FB7]  }
0x2f: {  	lr =	sadd.s32 s0, s3;
	s0 =	sld [smem:$0x3FAE]  }
0x30: {  	s3 =	sld [smem:$0x3FB1]  }
0x31: {  	[smem:$0x3FBA] =	sst s10  }
0x32: {  	s10 =	sld [smem:$0x3FB8];
	_ =	sdelay $0x3  }
0x33: {  	p0 =	seq.s32 s10, $0x1;
	s10 =	sld [smem:$0x3FBA];
	_ =	sdelay $0x3  }
0x34: {  	[smem:$0x3FBA] =	sst s10  }
0x35: {  	s10 =	sld [smem:$0x3FB9];
	_ =	sdelay $0x3  }
0x36: {  	p1 =	seq.s32 s10, $0x1;
	s10 =	sld [smem:$0x3FBA];
	_ =	sdelay $0x3  }
0x37: {  	[smem:$0x3FBA] =	sst s10  }
0x38: {  	s10 =	sld [smem:$0x3FBB]  }
0x39: {  	_ = 	snop;
	(pc) =	sbr.ind lr, $3  }
0x3a: {  	_ = 	snop  }
0x3b: {  	_ = 	snop  }
0x3c: {  	p2 =	seq.s32 s10, $0x1;
	s10 =	sld [smem:$0x3FBA]  }
0x3d: {  	_ =	shalt  }
0x3e: {  	_ =	shalt  }
0x3f: {  	_ =	shalt  }
0x40: {  	_ =	shalt  }
0x41: {  	_ =	shalt  }
0x42: {  	_ =	shalt  }
0x43: {  	_ =	shalt  }
0x44: {  	_ =	shalt  }
0x45: {  	_ =	shalt  }
0x46: {  	_ =	shalt  }
0x47: {  	_ =	shalt  }
0x48: {  	_ =	shalt  }
0x49: {  	_ =	shalt  }
0x4a: {  	_ =	shalt  }
0x4b: {  	_ =	shalt  }
0x4c: {  	_ =	shalt  }
0x4d: {  	_ =	shalt  }
0x4e: {  	_ =	shalt  }
0x4f: {  	_ =	shalt  }
0x50: {  	_ =	shalt  }
0x51: {  	_ =	shalt  }
0x52: {  	_ =	shalt  }
0x53: {  	_ =	shalt  }
0x54: {  	_ =	shalt  }
0x55: {  	_ =	shalt  }
0x56: {  	_ =	shalt  }
0x57: {  	_ =	shalt  }
0x58: {  	_ =	shalt  }
0x59: {  	_ =	shalt  }
0x5a: {  	_ =	shalt  }
0x5b: {  	_ =	shalt  }
0x5c: {  	_ =	shalt  }
0x5d: {  	_ =	shalt  }
0x5e: {  	_ =	shalt  }
0x5f: {  	_ =	shalt  }
0x60: {  	_ =	shalt  }
0x61: {  	_ =	shalt  }
0x62: {  	_ =	shalt  }
0x63: {  	_ =	shalt  }
0x64: {  	_ =	shalt  }
0x65: {  	_ =	shalt  }
0x66: {  	_ =	shalt  }
0x67: {  	_ =	shalt  }
0x68: {  	_ =	shalt  }
0x69: {  	_ =	shalt  }
0x6a: {  	_ =	shalt  }
0x6b: {  	_ =	shalt  }
0x6c: {  	_ =	shalt  }
0x6d: {  	_ =	shalt  }
0x6e: {  	_ =	shalt  }
0x6f: {  	_ =	shalt  }
0x70: {  	_ =	shalt  }
0x71: {  	_ =	shalt  }
0x72: {  	_ =	shalt  }
0x73: {  	_ =	shalt  }
0x74: {  	_ =	shalt  }
0x75: {  	_ =	shalt  }
0x76: {  	_ =	shalt  }
0x77: {  	_ =	shalt  }
0x78: {  	_ =	shalt  }
0x79: {  	_ =	shalt  }
0x7a: {  	_ =	shalt  }
0x7b: {  	_ =	shalt  }
0x7c: {  	_ =	shalt  }
0x7d: {  	_ =	shalt  }
0x7e: {  	_ =	shalt  }
0x7f: {  	_ =	shalt  }
0x80: {  	_ =	shalt  }
0x81: {  	_ =	shalt  }
0x82: {  	_ =	shalt  }
0x83: {  	_ =	shalt  }
0x84: {  	_ =	shalt  }
0x85: {  	_ =	shalt  }
0x86: {  	_ =	shalt  }
0x87: {  	_ =	shalt  }
.Lfunc_end0:
.L_simem_size_0:
called_computation_lowered:
.L_overlay_start_0:
0x88: {  	s2 =	sld [smem:$0x3FD9]  }
0x89: {  	s3 =	sld [smem:$0x3FFE];
	_ =	sdelay $0x1  }
0x8a: {  	s1 =	srdreg.scid  }
0x8b: {  	s0 =	sand.u32 $0x1, s1  }
0x8c: {  	s16 =	sshll.u32 s0, $0xA;
	s2 =	sadd.s32 s3, s2  }
0x8d: {  	s2 =	sadd.s32 s2, s16  }
0x8e: {  	[smem:$0x3FC6] =	sst s2  }
0x8f: {  	_ = 	snop  }
0x90: {  	(tm) =	ssettm $0x1  }
0x91: {  	s17 =	sld [smem:$0x3FFB];
	_ =	sdelay $0x3  }
0x92: {  	_ =	strace s17  }
0x93: {  	s2 =	sld [smem:$0x3FFC];
	_ =	sdelay $0x3  }
0x94: {  	_ =	strace s2  }
0x95: {  	s2 =	sld [smem:$0x3FFD];
	_ =	sdelay $0x3  }
0x96: {  	_ =	strace s2  }
0x97: {  	_ =	strace $0x8FFFFFFF  }
0x98: {  	s18 =	sld [smem:$0x3FDB];
	_ =	sdelay $0x1  }
0x99: {  	s19 =	simm.s32 $_scs_section_size  }
0x9a: {  	s4 =	simm.s32 $_size__tile_overlayer_lowered;
	s5 =	simm.s32 $_tile_overlayer_lowered  }
0x9b: {  	s22 =	simm.s32 $0x1BFF;
	s21 =	sshll.u32 s5, $0x1;
	s2 =	sadd.s32 s19, s18  }
0x9c: {  	s6 =	simm.s32 $0x0;
	s20 =	sshll.u32 s4, $0x1;
	s4 =	sadd.s32 s21, s2  }
0x9d: {  	[timem:s6], [sflag:s22] =	dma.local [hbm:s4], s20  }
0x9e: {  	_ =	swait.ge [sflag:s22], s20  }
0x9f: {  	s3 =	ssub.s32 $0x0, s20;
	[sflag:s22] =	ssyncset.done $0x0  }
0xa0: {  	[sflag:s22] =	ssyncadd.s32 s3;
	_ =	sdelay $0x1  }
0xa1: {  	s23 =	simm.s32 $0x1B8B  }
0xa2: {  	_ =	swait.ge [sflag:s23], $0x1  }
0xa3: {  	[sflag:s23] =	ssyncset.done $0x0  }
0xa4: {  	s25 =	simm.s32 $0x1B8E;
	s24 =	sld [smem:$0x3FFE];
	[sflag:s23] =	ssyncadd.s32 $0xFFFFFFFF  }
0xa5: {  	s26 =	simm.s32 $execute0_lowered;
	[smem:$0x3FD2] =	sst s25  }
0xa6: {  	s4 =	sshll.u32 s26, $0x1;
	_ =	strace $0x80000046;
	[dreg:$0x1] =	wrdreg $0xFFFFFFFF  }
0xa7: {  	s28 =	simm.s32 $_size_execute0_lowered;
	s2 =	sadd.s32 s2, s4;
	[dreg:$0x0] =	wrdreg $0x0  }
0xa8: {  	s4 =	sshll.u32 s28, $0x1;
	[dreg:$0x2] =	wrdreg s2  }
0xa9: {  	[dreg:$0x3] =	wrdreg s4  }
0xaa: {  	[dreg:$0x4] =	wrdreg $0xC0  }
0xab: {  	_ =	task [dreg:s6], $0x5FFFF  }
0xac: {  	[dreg:$0x1] =	wrdreg $0xFFFFFFFF  }
0xad: {  	[dreg:$0x0] =	wrdreg $0x60  }
0xae: {  	[dreg:$0x2] =	wrdreg s24  }
0xaf: {  	[dreg:$0x3] =	wrdreg $0xC0000  }
0xb0: {  	[dreg:$0x4] =	wrdreg $0x124000  }
0xb1: {  	[dreg:$0x5] =	wrdreg $0x9  }
0xb2: {  	_ =	task.clear_ibuf [dreg:s6], $0x6FFFF;
	_ =	strace $0x90000046  }
0xb3: {  	s29 =	simm.s32 $0x9;
	_ =	strace $0x80000048  }
0xb4: {  	_ =	swait.ge [sflag:s29], $0x1  }
0xb5: {  	[sflag:s29] =	ssyncadd.s32 $0xFFFFFFFF  }
0xb6: {  	_ =	strace $0x90000048  }
0xb7: {  	_ =	sfence  }
0xb8: {  	s30 =	sld [smem:$0x0];
	_ =	sdelay $0x2  }
0xb9: {  	s31 =	sshll.u32 s1, $0xD;
	s1 =	sshrl.u32 s1, $0x2  }
0xba: {  	s3 =	sand.u32 $0x4000, s31;
	s1 =	sadd.s32 s1, s30  }
0xbb: {  	s0 =	sor.u32 s3, s0;
	s1 =	sshll.u32 s1, $0x11  }
0xbc: {  	s0 =	sor.u32 s1, s0  }
0xbd: {  	s0 =	sadd.s32 $0x8F2B, s0  }
0xbe: {  	[sflag:s0] =	ssyncadd.remote.s32 $0x1  }
0xbf: {  	_ =	sfence.sel $0xFFFF  }
0xc0: {  	[dreg:$0x0] =	wrdreg $0xFFFFFFFF;
	(pc) =	sbr.abs _section_cstart, $3  }
0xc1: {  	[dreg:$0x1] =	wrdreg $0xFFFFFFFF  }
0xc2: {  	_ =	task.clear_ibuf [dreg:s6], $0x2FFFF;
	_ =	strace $0x9FFFFFFF  }
0xc3: {  	(tm) =	ssettm $0x7FFFFFFF  }
tec
execute0_lowered:
.L_overlay_start_1:
0x0: {  	(tag) =	ssettag $0x1  }
0x1: {  	s0 =	rddreg [dreg:$0x0]  }
0x2: {  	s1 =	rddreg [dreg:$0x1]  }
0x3: {  	s2 =	rddreg [dreg:$0x2]  }
0x4: {  	s3 =	simm.s32 $0x0;
	s5 =	srdreg.scid;
	s26 =	stileid.u32  }
0x5: {  	s18 =	simm.s32 $0x8000;
	s19 =	simm.s32 $0x2;
	s20 =	simm.s32 $0x3  }
0x6: {  	s21 =	simm.s32 $0x80;
	s22 =	simm.s32 $0x400;
	s23 =	simm.s32 $0x4000  }
0x7: {  	s24 =	simm.s32 $0x1;
	[smem:$0x7FF] =	sst s3;
	s4 =	sadd.s32 $0x1D0600, s0  }
0x8: {  	s6 =	sand.u32 $0x1, s5;
	s5 =	sadd.s32 $0x100600, s0;
	s7 =	sadd.s32 $0x600, s0  }
0x9: {  	s8 =	sadd.s32 $0xE00, s0;
	s9 =	sadd.s32 $0x1200, s0;
	s12 =	smul.u32 $0x18000, s26  }
0xa: {  	s11 =	smin.u32 s26, $0x2;
	s13 =	smul.u32 $0x3, s26;
	s10 =	ssub.s32 $0x2, s6  }
0xb: {  	_ =	strace $0x80000047;
	s14 =	sshll.u32 s11, $0xF;
	s25 =	sshrl.u32 s10, $0x1  }
0xc: {  	s6 =	smul.u32 $0x32, s6;
	s12 =	sadd.s32 s14, s12;
	s0 =	ssub.s32 s10, s25  }
0xd: {  	[dreg:$0x4] =	wrdreg s7;
	s28 =	sshrl.u32 s12, $0x2;
	s0 =	smax.u32 s0, $0x1  }
0xe: {  	s6 =	sadd.s32 s6, s11;
	s29 =	sadd.s32 s28, s1;
	[dreg:$0x5] =	wrdreg s0  }
0xf: {  	p0 =	slt.u32 s26, $0x2;
	s6 =	sadd.s32 s13, s6;
	[dreg:$0x7] =	wrdreg s29  }
.Ltmp0:
0x10: {  	s0 =	sadd.s32 s28, s2;
	[dreg:$0x6] =	wrdreg s6;
	(pc) =	sbr.rel .LBB2_1-.Ltmp0, $4  }
0x11: {  	s30 =	sadd.s32 $0x64, s6;
	s6 =	sshll.u32 s6, $0x7;
	[dreg:$0x8] =	wrdreg s0  }
0x12: {  	s10 =	simm.s32 $0x4;
	[dreg:$0x9] =	wrdreg s6;
	s31 =	sshll.u32 s30, $0x4  }
0x13: {  	s25 =	simm.s32 $0x10;
	s0 =	sshll.u32 s30, $0xA;
	[dreg:$0xa] =	wrdreg s31  }
0x14: {  	s10 =	simm.s32 @!p0 $0x3;
	s6 =	simm.s32 $0x0;
	[dreg:$0xb] =	wrdreg s0  }
.LBB2_5:
0x15: {  	s6 =	rddreg [dreg:$0xc]  }
0x16: {  	s0 =	rddreg [dreg:$0x5];
	s6 =	sadd.s32 $0x1, s6  }
0x17: {  	p0 =	sne.s32 s6, s0  }
.Ltmp1:
0x18: {  	_ = 	snop;
	(pc) =	sbr.rel @!p0 .LBB2_6-.Ltmp1, $1  }
0x19: {  	_ =	sdelay $0x3  }
.LBB2_1:
0x1a: {  	[dreg:$0xc] =	wrdreg s6  }
0x1b: {  	s0 =	rddreg [dreg:$0x4]  }
0x1c: {  	[tilespmem:s18], [sflag:$0x2] =	stream.linear.gather [hbm4b:s0+s3], $0x4000, $0x38;
	[tilespmem:$0x18800] =	vst v63  }
0x1d: {  	_ =	swait.ge [sflag:s19], $0x4000  }
.Ltmp2:
0x1e: {  	s28 =	rddreg [dreg:$0xb];
	(pc) =	sbr.rel .LBB2_2-.Ltmp2, $4  }
0x1f: {  	s29 =	rddreg [dreg:$0xa]  }
0x20: {  	s30 =	rddreg [dreg:$0x9]  }
0x21: {  	[sflag:s19] =	ssyncset.done $0x0;
	s31 =	rddreg [dreg:$0x8]  }
0x22: {  	s6 =	simm.s32 $0x0;
	s13 =	rddreg [dreg:$0x7];
	[sflag:s19] =	ssyncadd.s32 $0xFFFFC000  }
.LBB2_4:
0x23: {  	s6 =	sadd.s32 $0x1, s6  }
0x24: {  	p0 =	sne.s32 s6, $0x4  }
.Ltmp3:
0x25: {  	_ = 	snop;
	(pc) =	sbr.rel @!p0 .LBB2_5-.Ltmp3, $3  }
0x26: {  	_ =	sdelay $0x1  }
0x27: {  	s13 =	sadd.s32 $0x2000, s13;
	s31 =	sadd.s32 $0x2000, s31  }
0x28: {  	s30 =	sadd.s32 $0x80, s30;
	s29 =	sadd.s32 $0x10, s29;
	s28 =	sadd.s32 $0x400, s28  }
.LBB2_2:
0x29: {  	p0 =	sge.u32 s6, s10  }
.Ltmp4:
0x2a: {  	_ = 	snop;
	(pc) =	sbr.rel @p0 .LBB2_4-.Ltmp4, $1  }
0x2b: {  	_ =	sdelay $0x3  }
0x2c: {  	s0 =	stileid.u32  }
0x2d: {  	s11 =	sshll.u32 s0, $0x6  }
0x2e: {  	s15 =	sshrl.u32 s13, $0x3;
	s14 =	sor.u32 $0x1C03, s11  }
0x2f: {  	[spmem:s15], [sflag:s14] =	dma.local [hbm:s8], $0x400  }
0x30: {  	_ =	swait.ge [sflag:s20], $0x400  }
0x31: {  	[sflag:s20] =	ssyncset.done $0x0;
	s7 =	rddreg [dreg:$0x6]  }
0x32: {  	s0 =	sshrl.u32 s31, $0x3;
	s16 =	sadd.s32 s6, s7;
	[sflag:s20] =	ssyncadd.s32 $0xFFFFFC00  }
0x33: {  	[spmem:s0], [sflag:s14] =	dma.local [hbm:s8], $0x400  }
0x34: {  	s16 =	sshrl.u32 s16, $0x3  }
0x35: {  	s17 =	sand.u32 $0x380, s30;
	s7 =	sshll.u32 s16, $0x13  }
0x36: {  	_ =	swait.ge [sflag:s20], $0x400;
	s7 =	sor.u32 s17, s7  }
0x37: {  	[sflag:s20] =	ssyncset.done $0x0;
	s7 =	sshrl.u32 s7, $0x3  }
0x38: {  	[sflag:s20] =	ssyncadd.s32 $0xFFFFFC00;
	s26 =	sadd.s32 s5, s7  }
0x39: {  	[tilespmem:s3], [sflag:$0x1] =	stream.strided.gather [hbm4b:s26+s21], $0x4000, s22, s21, $0x38;
	[tilespmem:$0x18800] =	vst v63  }
0x3a: {  	s12 =	sadd.s32 s4, s7  }
0x3b: {  	[tilespmem:s23], [sflag:$0x1] =	stream.strided.gather [hbm4b:s12+s21], $0x4000, s22, s21, $0x38;
	[tilespmem:$0x18800] =	vst v63  }
0x3c: {  	_ =	swait.ge [sflag:s24], $0x4000  }
0x3d: {  	[sflag:s24] =	ssyncset.done $0x0  }
0x3e: {  	[sflag:s24] =	ssyncadd.s32 $0xFFFFC000  }
0x3f: {  	_ =	swait.ge [sflag:s24], $0x4000  }
0x40: {  	[sflag:s24] =	ssyncset.done $0x0  }
0x41: {  	[sflag:s24] =	ssyncadd.s32 $0xFFFFC000  }
0x42: {  	[spmem:s1] =	stream.indirect.scatter.add.f32 [tilespmem:s18], [sflag:$0x1], $0x1, s3, s23, $0xb8;
	[tilespmem:$0x18800] =	vst v63  }
0x43: {  	_ = 	snop  }
0x44: {  	[spmem:s2] =	stream.indirect.scatter.add.f32 [tilespmem:s23], [sflag:$0x1], $0x1, s3, s23, $0xb8;
	[tilespmem:$0x18800] =	vst v63  }
0x45: {  	_ =	swait.ge [sflag:s24], $0x4000  }
0x46: {  	[sflag:s24] =	ssyncset.done $0x0  }
0x47: {  	[sflag:s24] =	ssyncadd.s32 $0xFFFFC000  }
0x48: {  	_ =	swait.ge [sflag:s24], $0x4000  }
0x49: {  	s26 =	sor.u32 $0x4000, s7;
	[sflag:s24] =	ssyncset.done $0x0  }
0x4a: {  	s12 =	sadd.s32 s5, s26;
	[sflag:s24] =	ssyncadd.s32 $0xFFFFC000  }
0x4b: {  	[tilespmem:s3], [sflag:$0x1] =	stream.strided.gather [hbm4b:s12+s21], $0x4000, s22, s21, $0x38;
	[tilespmem:$0x18800] =	vst v63  }
0x4c: {  	s26 =	sadd.s32 s4, s26  }
0x4d: {  	[tilespmem:s23], [sflag:$0x1] =	stream.strided.gather [hbm4b:s26+s21], $0x4000, s22, s21, $0x38;
	[tilespmem:$0x18800] =	vst v63  }
0x4e: {  	_ =	swait.ge [sflag:s24], $0x4000  }
0x4f: {  	[sflag:s24] =	ssyncset.done $0x0  }
0x50: {  	[sflag:s24] =	ssyncadd.s32 $0xFFFFC000  }
0x51: {  	_ =	swait.ge [sflag:s24], $0x4000  }
0x52: {  	[sflag:s24] =	ssyncset.done $0x0  }
0x53: {  	[sflag:s24] =	ssyncadd.s32 $0xFFFFC000  }
0x54: {  	[spmem:s1] =	stream.indirect.scatter.add.f32 [tilespmem:s18], [sflag:$0x1], $0x1, s3, s23, $0xb8;
	[tilespmem:$0x18800] =	vst v63  }
0x55: {  	_ = 	snop  }
0x56: {  	[spmem:s2] =	stream.indirect.scatter.add.f32 [tilespmem:s23], [sflag:$0x1], $0x1, s3, s23, $0xb8;
	[tilespmem:$0x18800] =	vst v63  }
0x57: {  	_ =	swait.ge [sflag:s24], $0x4000  }
0x58: {  	[sflag:s24] =	ssyncset.done $0x0  }
0x59: {  	[sflag:s24] =	ssyncadd.s32 $0xFFFFC000  }
0x5a: {  	_ =	swait.ge [sflag:s24], $0x4000  }
0x5b: {  	s12 =	sor.u32 $0x8000, s7;
	[sflag:s24] =	ssyncset.done $0x0  }
0x5c: {  	s26 =	sadd.s32 s5, s12;
	[sflag:s24] =	ssyncadd.s32 $0xFFFFC000  }
0x5d: {  	[tilespmem:s3], [sflag:$0x1] =	stream.strided.gather [hbm4b:s26+s21], $0x4000, s22, s21, $0x38;
	[tilespmem:$0x18800] =	vst v63  }
0x5e: {  	s12 =	sadd.s32 s4, s12  }
0x5f: {  	[tilespmem:s23], [sflag:$0x1] =	stream.strided.gather [hbm4b:s12+s21], $0x4000, s22, s21, $0x38;
	[tilespmem:$0x18800] =	vst v63  }
0x60: {  	_ =	swait.ge [sflag:s24], $0x4000  }
0x61: {  	[sflag:s24] =	ssyncset.done $0x0  }
0x62: {  	[sflag:s24] =	ssyncadd.s32 $0xFFFFC000  }
0x63: {  	_ =	swait.ge [sflag:s24], $0x4000  }
0x64: {  	[sflag:s24] =	ssyncset.done $0x0  }
0x65: {  	[sflag:s24] =	ssyncadd.s32 $0xFFFFC000  }
0x66: {  	[spmem:s1] =	stream.indirect.scatter.add.f32 [tilespmem:s18], [sflag:$0x1], $0x1, s3, s23, $0xb8;
	[tilespmem:$0x18800] =	vst v63  }
0x67: {  	_ = 	snop  }
0x68: {  	[spmem:s2] =	stream.indirect.scatter.add.f32 [tilespmem:s23], [sflag:$0x1], $0x1, s3, s23, $0xb8;
	[tilespmem:$0x18800] =	vst v63  }
0x69: {  	_ =	swait.ge [sflag:s24], $0x4000  }
0x6a: {  	[sflag:s24] =	ssyncset.done $0x0  }
0x6b: {  	[sflag:s24] =	ssyncadd.s32 $0xFFFFC000  }
0x6c: {  	_ =	swait.ge [sflag:s24], $0x4000  }
0x6d: {  	s7 =	sor.u32 $0xC000, s7;
	[sflag:s24] =	ssyncset.done $0x0  }
0x6e: {  	s26 =	sadd.s32 s5, s7;
	[sflag:s24] =	ssyncadd.s32 $0xFFFFC000  }
0x6f: {  	[tilespmem:s3], [sflag:$0x1] =	stream.strided.gather [hbm4b:s26+s21], $0x4000, s22, s21, $0x38;
	[tilespmem:$0x18800] =	vst v63  }
0x70: {  	s7 =	sadd.s32 s4, s7  }
0x71: {  	[tilespmem:s23], [sflag:$0x1] =	stream.strided.gather [hbm4b:s7+s21], $0x4000, s22, s21, $0x38;
	[tilespmem:$0x18800] =	vst v63  }
0x72: {  	_ =	swait.ge [sflag:s24], $0x4000  }
0x73: {  	[sflag:s24] =	ssyncset.done $0x0  }
0x74: {  	[sflag:s24] =	ssyncadd.s32 $0xFFFFC000  }
0x75: {  	_ =	swait.ge [sflag:s24], $0x4000  }
0x76: {  	[sflag:s24] =	ssyncset.done $0x0  }
0x77: {  	[sflag:s24] =	ssyncadd.s32 $0xFFFFC000  }
0x78: {  	[spmem:s1] =	stream.indirect.scatter.add.f32 [tilespmem:s18], [sflag:$0x1], $0x1, s3, s23, $0xb8;
	[tilespmem:$0x18800] =	vst v63  }
0x79: {  	_ = 	snop  }
0x7a: {  	[spmem:s2] =	stream.indirect.scatter.add.f32 [tilespmem:s23], [sflag:$0x1], $0x1, s3, s23, $0xb8;
	[tilespmem:$0x18800] =	vst v63  }
0x7b: {  	_ =	swait.ge [sflag:s24], $0x4000  }
0x7c: {  	[sflag:s24] =	ssyncset.done $0x0  }
0x7d: {  	s16 =	sshll.u32 s16, $0x10;
	[sflag:s24] =	ssyncadd.s32 $0xFFFFC000  }
0x7e: {  	s7 =	sor.u32 s17, s16;
	_ =	swait.ge [sflag:s24], $0x4000  }
0x7f: {  	s7 =	sshrl.u32 s7, $0x3;
	[sflag:s24] =	ssyncset.done $0x0  }
0x80: {  	s7 =	sadd.s32 s9, s7;
	[sflag:s24] =	ssyncadd.s32 $0xFFFFC000  }
0x81: {  	[hbm:s7@s21], [sflag:s14] =	dma.strided [spmem:s15@s25], $0x400, s24, $0x10   }
0x82: {  	s11 =	sor.u32 $0x1C02, s11;
	s17 =	sand.u32 $0x70, s29;
	_ =	swait.ge [sflag:s20], $0x400  }
0x83: {  	s26 =	sand.u32 $0xFFFE000, s28;
	s7 =	sadd.s32 s9, s17;
	[sflag:s20] =	ssyncset.done $0x0  }
.Ltmp5:
0x84: {  	s7 =	sadd.s32 s26, s7;
	[sflag:s20] =	ssyncadd.s32 $0xFFFFFC00;
	(pc) =	sbr.rel .LBB2_4-.Ltmp5, $4  }
0x85: {  	[hbm:s7@s21], [sflag:s11] =	dma.strided [spmem:s0@s25], $0x400, s24, $0x10   }
0x86: {  	_ =	swait.ge [sflag:s19], $0x400  }
0x87: {  	[sflag:s19] =	ssyncset.done $0x0  }
0x88: {  	[sflag:s19] =	ssyncadd.s32 $0xFFFFFC00  }
.LBB2_6:
0x89: {  	_ =	sfence.sel $0x180000  }
0x8a: {  	[bflag:$0x0] =	sbarrier.arrive $0xFFFF  }
0x8b: {  	_ =	strace $0x90000047  }
0x8c: {  	s0 =	stileid.u32;
	[bflag:$0x2] =	sbarrier.arrive $0xFFFF  }
0x8d: {  	p0 =	sne.s32 s0, $0x0;
	s0 =	rddreg [dreg:$0x3]  }
0x8e: {  	s0 =	sadd.s32 @!p0 $0x100000, s0  }
0x8f: {  	[sflag:s0] =	ssyncadd.tile.s32 @!p0 $0x1;
	_ =	shalt  }
.Lfunc_end2:
_tile_overlayer_lowered:
.L_overlay_start_2:
0x90: {  	(tag) =	ssettag $0x2  }
0x91: {  	s0 =	rddreg [dreg:$0x0];
	s2 =	stileid.u32  }
0x92: {  	s1 =	rddreg [dreg:$0x1];
	p0 =	sne.s32 s2, $0x0  }
0x93: {  	s3 =	rddreg [dreg:$0x2];
	[bflag:$0x3] =	sbarrier.arrive $0xFFFF;
	s2 =	simm.s32 @!p0 $0x1C02  }
0x94: {  	[timem:s3], [sflag:s2] =	dma.local @!p0 [hbm:s0], s1  }
0x95: {  	s0 =	simm.s32 @!p0 $0x2  }
0x96: {  	_ =	swait.ge @!p0 [sflag:s0], s1  }
0x97: {  	s1 =	ssub.s32 @!p0 $0x0, s1;
	[sflag:s0] =	ssyncset.done @!p0 $0x0  }
0x98: {  	[sflag:s0] =	ssyncadd.s32 @!p0 s1  }
0x99: {  	[bflag:$0x3] =	sbarrier.arrive $0xFFFF  }
0x9a: {  	_ =	shalt  }

</sc_bundles>
